<compile_context>
chip_gen: v7x
topology: tpu7x:2x2x1
jax: 0.10.2.dev20260603
libtpu: 0.0.44.dev20260713+nightly
codegen_flags: <defaults>
</compile_context>

<pallas_src>
import functools

import jax
import jax.numpy as jnp
from jax import lax
from jax.experimental import pallas as pl
from jax.experimental.pallas import tpu as pltpu
from jax.experimental.pallas import tpu_sc as plsc

_N = 16384
_D = 256
_K = 8192
_TN = 2048
_TK = 512
_NT = _N // _TN
_KT = _K // _TK
_SEG_TILES = 8
_BIG = 3.0e38
_NW = 32
_BPW = _N // _NW
_CH = 128
_NCH = _BPW // _CH


def _bf16_round(v):
    return v.astype(jnp.bfloat16).astype(jnp.float32)


def _combine(av, ai, bv, bi):
    take = (bv < av) | ((bv == av) & (bi < ai))
    return jnp.where(take, bv, av), jnp.where(take, bi, ai)


def _argmin_kernel(xb_ref, w_ref, s1_ref, idx_ref,
                   accm_ref, acci_ref, segm_ref, segi_ref):
    j = pl.program_id(1)

    @pl.when(j % _SEG_TILES == 0)
    def _init():
        accm_ref[...] = jnp.full((8, _TN), _BIG, jnp.float32)
        acci_ref[...] = jnp.zeros((8, _TN), jnp.float32)

    xb = xb_ref[...]
    w = w_ref[...]
    s1 = s1_ref[...]
    c = lax.dot_general(w, xb, (((1,), (1,)), ((), ())),
                        preferred_element_type=jnp.float32)
    accm = accm_ref[...]
    acci = acci_ref[...]
    sub_iota = lax.broadcasted_iota(jnp.int32, (8, _TN), 0).astype(jnp.float32)
    base = (j * _TK).astype(jnp.float32)
    for t in range(_TK // 8):
        cs = lax.slice(c, (8 * t, 0), (8 * t + 8, _TN))
        d = s1 + cs
        upd = d < accm
        accm = jnp.where(upd, d, accm)
        acci = jnp.where(upd, sub_iota + (base + 8.0 * t), acci)
    accm_ref[...] = accm
    acci_ref[...] = acci

    @pl.when(j % _SEG_TILES == _SEG_TILES - 1)
    def _collapse():
        v, i = accm_ref[...], acci_ref[...]
        v, i = _combine(lax.slice(v, (0, 0), (4, _TN)),
                        lax.slice(i, (0, 0), (4, _TN)),
                        lax.slice(v, (4, 0), (8, _TN)),
                        lax.slice(i, (4, 0), (8, _TN)))
        v, i = _combine(lax.slice(v, (0, 0), (2, _TN)),
                        lax.slice(i, (0, 0), (2, _TN)),
                        lax.slice(v, (2, 0), (4, _TN)),
                        lax.slice(i, (2, 0), (4, _TN)))
        v, i = _combine(lax.slice(v, (0, 0), (1, _TN)),
                        lax.slice(i, (0, 0), (1, _TN)),
                        lax.slice(v, (1, 0), (2, _TN)),
                        lax.slice(i, (1, 0), (2, _TN)))

        @pl.when(j == _SEG_TILES - 1)
        def _store_seg0():
            segm_ref[...] = v
            segi_ref[...] = i

        @pl.when(j == _KT - 1)
        def _final():
            m0 = segm_ref[...]
            i0 = segi_ref[...]
            acc_v = _bf16_round(m0)
            upd = v < acc_v
            idxf = jnp.where(upd, i, i0)
            idx_ref[...] = idxf.astype(jnp.int32)


def _argmin_call(flat_bf16, weight, s1row):
    return pl.pallas_call(
        _argmin_kernel,
        grid=(_NT, _KT),
        in_specs=[
            pl.BlockSpec((_TN, _D), lambda i, j: (i, 0)),
            pl.BlockSpec((_TK, _D), lambda i, j: (j, 0)),
            pl.BlockSpec((1, _TN), lambda i, j: (0, i)),
        ],
        out_specs=pl.BlockSpec((1, _TN), lambda i, j: (0, i)),
        out_shape=jax.ShapeDtypeStruct((1, _N), jnp.int32),
        scratch_shapes=[
            pltpu.VMEM((8, _TN), jnp.float32),
            pltpu.VMEM((8, _TN), jnp.float32),
            pltpu.VMEM((1, _TN), jnp.float32),
            pltpu.VMEM((1, _TN), jnp.float32),
        ],
    )(flat_bf16, weight, s1row)


def _gather_kernel(table_hbm, idx_hbm, out_hbm, idx_v, rows_v, sem0, sem1):
    wid = lax.axis_index("s") * 2 + lax.axis_index("c")
    base = wid * _BPW
    pltpu.sync_copy(idx_hbm.at[wid], idx_v)
    sems = (sem0, sem1)
    copies = {}
    copies[0] = pltpu.async_copy(table_hbm.at[idx_v.at[0]], rows_v.at[0],
                                 sems[0])
    for c in range(_NCH):
        if c + 1 < _NCH:
            copies[c + 1] = pltpu.async_copy(
                table_hbm.at[idx_v.at[c + 1]], rows_v.at[(c + 1) % 2],
                sems[(c + 1) % 2])
        copies[c].wait()
        pltpu.sync_copy(rows_v.at[c % 2],
                        out_hbm.at[pl.ds(base + c * _CH, _CH)])


def _gather_call(weight, idx3):
    mesh = plsc.VectorSubcoreMesh(core_axis_name="c", subcore_axis_name="s")
    k = functools.partial(
        pl.kernel,
        out_type=jax.ShapeDtypeStruct((_N, _D), jnp.float32),
        mesh=mesh,
        scratch_types=[
            pltpu.VMEM((_NCH, _CH), jnp.int32),
            pltpu.VMEM((2, _CH, _D), jnp.float32),
            pltpu.SemaphoreType.DMA,
            pltpu.SemaphoreType.DMA,
        ],
    )(_gather_kernel)
    return k(weight, idx3)


def kernel(inputs, weight):
    input_shape = inputs.shape
    flat = inputs.reshape(-1, _D)
    s1a = jnp.sum(inputs ** 2, axis=3)
    s1row = jnp.sum(s1a.reshape(_N, 8), axis=1).reshape(1, _N)
    idx = _argmin_call(flat.astype(jnp.bfloat16), weight * (-2.0), s1row)
    idx = idx.reshape(_N)
    idx3 = idx.reshape(_NW, _NCH, _CH)
    q = _gather_call(weight, idx3)
    quantized = q.reshape(input_shape)
    indices = idx.reshape(input_shape[0], input_shape[2], input_shape[3])
    return (quantized, indices)

# --- scband reference (transcript-rebuilt; emitter-appended) ---
"""Pipeline reference for scband-vector-quantizer-2508260901681 (READ-ONLY COPY).

The authoritative reference and input builder live on the scoring server;
editing this copy changes nothing except your own understanding.
"""

import jax, jax.numpy as jnp
import numpy as np

NUM_EMBEDDINGS = 8192
EMBEDDING_DIM = 256


def setup_inputs(seed: int = 0) -> dict:
    key = jax.random.key(seed)
    k1, k2 = jax.random.split(key)
    inputs = jax.random.normal(k1, (16, 256, 32, 32), dtype=jnp.float32)
    weight = jax.random.uniform(k2, (NUM_EMBEDDINGS, EMBEDDING_DIM),
                                minval=-1.0 / NUM_EMBEDDINGS,
                                maxval=1.0 / NUM_EMBEDDINGS,
                                dtype=jnp.float32)
    return {"inputs": inputs, "weight": weight}


def reference(inputs, weight):
    # Faithful translation of VectorQuantizer.forward (eval mode: no EMA buffer updates).
    input_shape = inputs.shape
    # torch .view(-1, embedding_dim) flattens contiguous (B, D, H, W) into rows of length D
    flat_input = inputs.reshape(-1, EMBEDDING_DIM)
    distances = (jnp.sum(flat_input ** 2, axis=1, keepdims=True)
                 + jnp.sum(weight ** 2, axis=1)
                 - 2.0 * jnp.matmul(flat_input, weight.T))
    encoding_indices = jnp.argmin(distances, axis=1)
    # scatter_ of ones into a zeros matrix == one-hot
    encodings = jax.nn.one_hot(encoding_indices, NUM_EMBEDDINGS, dtype=inputs.dtype)
    quantized = jnp.matmul(encodings, weight).reshape(input_shape)
    # straight-through estimator
    quantized = inputs + jax.lax.stop_gradient(quantized - inputs)
    indices = encoding_indices.reshape(input_shape[0], input_shape[2], input_shape[3])
    return (quantized, indices)

if __name__ == "__main__":
    import jax
    _d = setup_inputs()
    print(jax.jit(kernel)(*tuple(_d.values())))

</pallas_src>

<mosaic_0001>
#map = affine_map<(d0, d1) -> (0, 0)>
#map1 = affine_map<(d0, d1) -> (0, 0, 0)>
module attributes {stable_mosaic.version = 14 : i64} {
  func.func @_gather_kernel(%arg0: i32, %arg1: i32, %arg2: memref<8192x256xf32, #tpu.memory_space<hbm>>, %arg3: memref<32x4x128xi32, #tpu.memory_space<hbm>>, %arg4: memref<16384x256xf32, #tpu.memory_space<hbm>>, %arg5: memref<4x128xi32, #tpu.memory_space<vmem>>, %arg6: memref<2x128x256xf32, #tpu.memory_space<vmem>>, %arg7: memref<!tpu.dma_semaphore, #tpu.memory_space<semaphore_mem>>, %arg8: memref<!tpu.dma_semaphore, #tpu.memory_space<semaphore_mem>>) attributes {dimension_semantics = [#tpu.dimension_semantics<core_parallel>, #tpu.dimension_semantics<subcore_parallel>], iteration_bounds = array<i64: 2, 16>, scalar_prefetch = 0 : i64, scratch_operands = 4 : i64, tpu.core_type = #tpu.core_type<sc_vector_subcore>, window_params = [{transform_indices = #map}, {transform_indices = #map1}, {transform_indices = #map}]} {
    %mul3A = arith.constant 2 : i32
    %mul3A_0 = arith.muli %arg1, %mul3A : i32
    %add3A = arith.addi %mul3A_0, %arg0 : i32
    %mul3A_1 = arith.constant 512 : i32
    %mul3A_2 = arith.muli %add3A, %mul3A_1 : i32
    "tpu.region"() ({
      %run_scoped3A_108 = tpu.sem_alloc : memref<!tpu.dma_semaphore, #tpu.memory_space<semaphore_mem>>
      %dma_start3A_109 = arith.constant 0 : i32
      %dma_start3A_110 = arith.constant 0 : i32
      %dma_start3A_111 = tpu.memref_slice %arg3[%add3A, %dma_start3A_109, %dma_start3A_110] : memref<32x4x128xi32, #tpu.memory_space<hbm>> -> memref<1x4x128xi32, #tpu.memory_space<hbm>>
      %dma_start3A_112 = tpu.memref_squeeze %dma_start3A_111 : memref<1x4x128xi32, #tpu.memory_space<hbm>> -> memref<4x128xi32, #tpu.memory_space<hbm>>
      %dma_start3A_113 = arith.constant 0 : i32
      %dma_start3A_114 = arith.constant 0 : i32
      %dma_start3A_115 = tpu.memref_slice %arg3[%add3A, %dma_start3A_113, %dma_start3A_114] : memref<32x4x128xi32, #tpu.memory_space<hbm>> -> memref<1x4x128xi32, #tpu.memory_space<hbm>>
      %dma_start3A_116 = tpu.memref_squeeze %dma_start3A_115 : memref<1x4x128xi32, #tpu.memory_space<hbm>> -> memref<4x128xi32, #tpu.memory_space<hbm>>
      tpu.enqueue_dma source(%dma_start3A_116 : memref<4x128xi32, #tpu.memory_space<hbm>>) target(%arg5 : memref<4x128xi32, #tpu.memory_space<vmem>>) target_semaphore(%run_scoped3A_108 : memref<!tpu.dma_semaphore, #tpu.memory_space<semaphore_mem>>)
      %dma_wait3A_117 = arith.constant 0 : i32
      %dma_wait3A_118 = arith.constant 0 : i32
      %dma_wait3A_119 = tpu.memref_slice %arg3[%add3A, %dma_wait3A_117, %dma_wait3A_118] : memref<32x4x128xi32, #tpu.memory_space<hbm>> -> memref<1x4x128xi32, #tpu.memory_space<hbm>>
      %dma_wait3A_120 = tpu.memref_squeeze %dma_wait3A_119 : memref<1x4x128xi32, #tpu.memory_space<hbm>> -> memref<4x128xi32, #tpu.memory_space<hbm>>
      %dma_wait3A_121 = arith.constant 0 : i32
      %dma_wait3A_122 = arith.constant 0 : i32
      %dma_wait3A_123 = tpu.memref_slice %arg3[%add3A, %dma_wait3A_121, %dma_wait3A_122] : memref<32x4x128xi32, #tpu.memory_space<hbm>> -> memref<1x4x128xi32, #tpu.memory_space<hbm>>
      %dma_wait3A_124 = tpu.memref_squeeze %dma_wait3A_123 : memref<1x4x128xi32, #tpu.memory_space<hbm>> -> memref<4x128xi32, #tpu.memory_space<hbm>>
      tpu.wait_dma2 semaphore(%run_scoped3A_108 : memref<!tpu.dma_semaphore, #tpu.memory_space<semaphore_mem>>) src(%dma_wait3A_124 : memref<4x128xi32, #tpu.memory_space<hbm>>) dst(%arg5 : memref<4x128xi32, #tpu.memory_space<vmem>>)
      tpu.yield
    }) : () -> ()
    %dma_start3A = arith.constant 0 : i32
    %dma_start3A_3 = arith.constant 0 : i32
    %dma_start3A_4 = arith.constant 0 : i32
    %dma_start3A_5 = arith.constant 0 : i32
    %dma_start3A_6 = tpu.memref_slice %arg6[%dma_start3A_3, %dma_start3A_4, %dma_start3A_5] : memref<2x128x256xf32, #tpu.memory_space<vmem>> -> memref<1x128x256xf32, #tpu.memory_space<vmem>>
    %dma_start3A_7 = tpu.memref_squeeze %dma_start3A_6 : memref<1x128x256xf32, #tpu.memory_space<vmem>> -> memref<128x256xf32, #tpu.memory_space<vmem>>
    %dma_start3A_8 = arith.constant 0 : i32
    %dma_start3A_9 = tpu.memref_slice %arg5[%dma_start3A, %dma_start3A_8] : memref<4x128xi32, #tpu.memory_space<vmem>> -> memref<1x128xi32, #tpu.memory_space<vmem>>
    %dma_start3A_10 = tpu.memref_squeeze %dma_start3A_9 : memref<1x128xi32, #tpu.memory_space<vmem>> -> memref<128xi32, #tpu.memory_space<vmem>>
    %dma_start3A_11 = arith.constant 0 : i32
    %dma_start3A_12 = arith.constant 0 : i32
    %dma_start3A_13 = tpu.memref_slice %arg2[%dma_start3A_11, %dma_start3A_12] : memref<8192x256xf32, #tpu.memory_space<hbm>> -> memref<8192x256xf32, #tpu.memory_space<hbm>>
    tpu.enqueue_indirect_dma source(%dma_start3A_13 : memref<8192x256xf32, #tpu.memory_space<hbm>>) target(%dma_start3A_7 : memref<128x256xf32, #tpu.memory_space<vmem>>) offsets(%dma_start3A_10 : memref<128xi32, #tpu.memory_space<vmem>>) semaphore(%arg7 : memref<!tpu.dma_semaphore, #tpu.memory_space<semaphore_mem>>)
    %dma_start3A_14 = arith.constant 1 : i32
    %dma_start3A_15 = arith.constant 1 : i32
    %dma_start3A_16 = arith.constant 0 : i32
    %dma_start3A_17 = arith.constant 0 : i32
    %dma_start3A_18 = tpu.memref_slice %arg6[%dma_start3A_15, %dma_start3A_16, %dma_start3A_17] : memref<2x128x256xf32, #tpu.memory_space<vmem>> -> memref<1x128x256xf32, #tpu.memory_space<vmem>>
    %dma_start3A_19 = tpu.memref_squeeze %dma_start3A_18 : memref<1x128x256xf32, #tpu.memory_space<vmem>> -> memref<128x256xf32, #tpu.memory_space<vmem>>
    %dma_start3A_20 = arith.constant 0 : i32
    %dma_start3A_21 = tpu.memref_slice %arg5[%dma_start3A_14, %dma_start3A_20] : memref<4x128xi32, #tpu.memory_space<vmem>> -> memref<1x128xi32, #tpu.memory_space<vmem>>
    %dma_start3A_22 = tpu.memref_squeeze %dma_start3A_21 : memref<1x128xi32, #tpu.memory_space<vmem>> -> memref<128xi32, #tpu.memory_space<vmem>>
    %dma_start3A_23 = arith.constant 0 : i32
    %dma_start3A_24 = arith.constant 0 : i32
    %dma_start3A_25 = tpu.memref_slice %arg2[%dma_start3A_23, %dma_start3A_24] : memref<8192x256xf32, #tpu.memory_space<hbm>> -> memref<8192x256xf32, #tpu.memory_space<hbm>>
    tpu.enqueue_indirect_dma source(%dma_start3A_25 : memref<8192x256xf32, #tpu.memory_space<hbm>>) target(%dma_start3A_19 : memref<128x256xf32, #tpu.memory_space<vmem>>) offsets(%dma_start3A_22 : memref<128xi32, #tpu.memory_space<vmem>>) semaphore(%arg8 : memref<!tpu.dma_semaphore, #tpu.memory_space<semaphore_mem>>)
    %dma_wait3A = arith.constant 0 : i32
    %dma_wait3A_26 = arith.constant 0 : i32
    %dma_wait3A_27 = arith.constant 0 : i32
    %dma_wait3A_28 = arith.constant 0 : i32
    %dma_wait3A_29 = tpu.memref_slice %arg6[%dma_wait3A_26, %dma_wait3A_27, %dma_wait3A_28] : memref<2x128x256xf32, #tpu.memory_space<vmem>> -> memref<1x128x256xf32, #tpu.memory_space<vmem>>
    %dma_wait3A_30 = tpu.memref_squeeze %dma_wait3A_29 : memref<1x128x256xf32, #tpu.memory_space<vmem>> -> memref<128x256xf32, #tpu.memory_space<vmem>>
    %dma_wait3A_31 = arith.constant 0 : i32
    %dma_wait3A_32 = tpu.memref_slice %arg5[%dma_wait3A, %dma_wait3A_31] : memref<4x128xi32, #tpu.memory_space<vmem>> -> memref<1x128xi32, #tpu.memory_space<vmem>>
    %dma_wait3A_33 = tpu.memref_squeeze %dma_wait3A_32 : memref<1x128xi32, #tpu.memory_space<vmem>> -> memref<128xi32, #tpu.memory_space<vmem>>
    %dma_wait3A_34 = arith.constant 0 : i32
    %dma_wait3A_35 = arith.constant 0 : i32
    %dma_wait3A_36 = tpu.memref_slice %arg2[%dma_wait3A_34, %dma_wait3A_35] : memref<8192x256xf32, #tpu.memory_space<hbm>> -> memref<8192x256xf32, #tpu.memory_space<hbm>>
    tpu.wait_indirect_dma semaphore(%arg7 : memref<!tpu.dma_semaphore, #tpu.memory_space<semaphore_mem>>) src(%dma_wait3A_36 : memref<8192x256xf32, #tpu.memory_space<hbm>>) dst(%dma_wait3A_30 : memref<128x256xf32, #tpu.memory_space<vmem>>)
    %add3A_37 = arith.constant 0 : i32
    %add3A_38 = arith.addi %mul3A_2, %add3A_37 : i32
    %run_scoped3A = arith.constant 0 : i32
    "tpu.region"() ({
      %run_scoped3A_108 = tpu.sem_alloc : memref<!tpu.dma_semaphore, #tpu.memory_space<semaphore_mem>>
      %dma_start3A_109 = arith.constant 0 : i32
      %dma_start3A_110 = arith.constant 0 : i32
      %dma_start3A_111 = tpu.memref_slice %arg6[%run_scoped3A, %dma_start3A_109, %dma_start3A_110] : memref<2x128x256xf32, #tpu.memory_space<vmem>> -> memref<1x128x256xf32, #tpu.memory_space<vmem>>
      %dma_start3A_112 = tpu.memref_squeeze %dma_start3A_111 : memref<1x128x256xf32, #tpu.memory_space<vmem>> -> memref<128x256xf32, #tpu.memory_space<vmem>>
      %dma_start3A_113 = arith.constant 0 : i32
      %dma_start3A_114 = tpu.memref_slice %arg4[%add3A_38, %dma_start3A_113] : memref<16384x256xf32, #tpu.memory_space<hbm>> -> memref<128x256xf32, #tpu.memory_space<hbm>>
      %dma_start3A_115 = arith.constant 0 : i32
      %dma_start3A_116 = tpu.memref_slice %arg4[%add3A_38, %dma_start3A_115] : memref<16384x256xf32, #tpu.memory_space<hbm>> -> memref<128x256xf32, #tpu.memory_space<hbm>>
      %dma_start3A_117 = arith.constant 0 : i32
      %dma_start3A_118 = arith.constant 0 : i32
      %dma_start3A_119 = tpu.memref_slice %arg6[%run_scoped3A, %dma_start3A_117, %dma_start3A_118] : memref<2x128x256xf32, #tpu.memory_space<vmem>> -> memref<1x128x256xf32, #tpu.memory_space<vmem>>
      %dma_start3A_120 = tpu.memref_squeeze %dma_start3A_119 : memref<1x128x256xf32, #tpu.memory_space<vmem>> -> memref<128x256xf32, #tpu.memory_space<vmem>>
      tpu.enqueue_dma source(%dma_start3A_120 : memref<128x256xf32, #tpu.memory_space<vmem>>) target(%dma_start3A_116 : memref<128x256xf32, #tpu.memory_space<hbm>>) target_semaphore(%run_scoped3A_108 : memref<!tpu.dma_semaphore, #tpu.memory_space<semaphore_mem>>)
      %dma_wait3A_121 = arith.constant 0 : i32
      %dma_wait3A_122 = arith.constant 0 : i32
      %dma_wait3A_123 = tpu.memref_slice %arg6[%run_scoped3A, %dma_wait3A_121, %dma_wait3A_122] : memref<2x128x256xf32, #tpu.memory_space<vmem>> -> memref<1x128x256xf32, #tpu.memory_space<vmem>>
      %dma_wait3A_124 = tpu.memref_squeeze %dma_wait3A_123 : memref<1x128x256xf32, #tpu.memory_space<vmem>> -> memref<128x256xf32, #tpu.memory_space<vmem>>
      %dma_wait3A_125 = arith.constant 0 : i32
      %dma_wait3A_126 = tpu.memref_slice %arg4[%add3A_38, %dma_wait3A_125] : memref<16384x256xf32, #tpu.memory_space<hbm>> -> memref<128x256xf32, #tpu.memory_space<hbm>>
      %dma_wait3A_127 = arith.constant 0 : i32
      %dma_wait3A_128 = tpu.memref_slice %arg4[%add3A_38, %dma_wait3A_127] : memref<16384x256xf32, #tpu.memory_space<hbm>> -> memref<128x256xf32, #tpu.memory_space<hbm>>
      %dma_wait3A_129 = arith.constant 0 : i32
      %dma_wait3A_130 = arith.constant 0 : i32
      %dma_wait3A_131 = tpu.memref_slice %arg6[%run_scoped3A, %dma_wait3A_129, %dma_wait3A_130] : memref<2x128x256xf32, #tpu.memory_space<vmem>> -> memref<1x128x256xf32, #tpu.memory_space<vmem>>
      %dma_wait3A_132 = tpu.memref_squeeze %dma_wait3A_131 : memref<1x128x256xf32, #tpu.memory_space<vmem>> -> memref<128x256xf32, #tpu.memory_space<vmem>>
      tpu.wait_dma2 semaphore(%run_scoped3A_108 : memref<!tpu.dma_semaphore, #tpu.memory_space<semaphore_mem>>) src(%dma_wait3A_132 : memref<128x256xf32, #tpu.memory_space<vmem>>) dst(%dma_wait3A_128 : memref<128x256xf32, #tpu.memory_space<hbm>>)
      tpu.yield
    }) : () -> ()
    %dma_start3A_39 = arith.constant 2 : i32
    %dma_start3A_40 = arith.constant 0 : i32
    %dma_start3A_41 = arith.constant 0 : i32
    %dma_start3A_42 = arith.constant 0 : i32
    %dma_start3A_43 = tpu.memref_slice %arg6[%dma_start3A_40, %dma_start3A_41, %dma_start3A_42] : memref<2x128x256xf32, #tpu.memory_space<vmem>> -> memref<1x128x256xf32, #tpu.memory_space<vmem>>
    %dma_start3A_44 = tpu.memref_squeeze %dma_start3A_43 : memref<1x128x256xf32, #tpu.memory_space<vmem>> -> memref<128x256xf32, #tpu.memory_space<vmem>>
    %dma_start3A_45 = arith.constant 0 : i32
    %dma_start3A_46 = tpu.memref_slice %arg5[%dma_start3A_39, %dma_start3A_45] : memref<4x128xi32, #tpu.memory_space<vmem>> -> memref<1x128xi32, #tpu.memory_space<vmem>>
    %dma_start3A_47 = tpu.memref_squeeze %dma_start3A_46 : memref<1x128xi32, #tpu.memory_space<vmem>> -> memref<128xi32, #tpu.memory_space<vmem>>
    %dma_start3A_48 = arith.constant 0 : i32
    %dma_start3A_49 = arith.constant 0 : i32
    %dma_start3A_50 = tpu.memref_slice %arg2[%dma_start3A_48, %dma_start3A_49] : memref<8192x256xf32, #tpu.memory_space<hbm>> -> memref<8192x256xf32, #tpu.memory_space<hbm>>
    tpu.enqueue_indirect_dma source(%dma_start3A_50 : memref<8192x256xf32, #tpu.memory_space<hbm>>) target(%dma_start3A_44 : memref<128x256xf32, #tpu.memory_space<vmem>>) offsets(%dma_start3A_47 : memref<128xi32, #tpu.memory_space<vmem>>) semaphore(%arg7 : memref<!tpu.dma_semaphore, #tpu.memory_space<semaphore_mem>>)
    %dma_wait3A_51 = arith.constant 1 : i32
    %dma_wait3A_52 = arith.constant 1 : i32
    %dma_wait3A_53 = arith.constant 0 : i32
    %dma_wait3A_54 = arith.constant 0 : i32
    %dma_wait3A_55 = tpu.memref_slice %arg6[%dma_wait3A_52, %dma_wait3A_53, %dma_wait3A_54] : memref<2x128x256xf32, #tpu.memory_space<vmem>> -> memref<1x128x256xf32, #tpu.memory_space<vmem>>
    %dma_wait3A_56 = tpu.memref_squeeze %dma_wait3A_55 : memref<1x128x256xf32, #tpu.memory_space<vmem>> -> memref<128x256xf32, #tpu.memory_space<vmem>>
    %dma_wait3A_57 = arith.constant 0 : i32
    %dma_wait3A_58 = tpu.memref_slice %arg5[%dma_wait3A_51, %dma_wait3A_57] : memref<4x128xi32, #tpu.memory_space<vmem>> -> memref<1x128xi32, #tpu.memory_space<vmem>>
    %dma_wait3A_59 = tpu.memref_squeeze %dma_wait3A_58 : memref<1x128xi32, #tpu.memory_space<vmem>> -> memref<128xi32, #tpu.memory_space<vmem>>
    %dma_wait3A_60 = arith.constant 0 : i32
    %dma_wait3A_61 = arith.constant 0 : i32
    %dma_wait3A_62 = tpu.memref_slice %arg2[%dma_wait3A_60, %dma_wait3A_61] : memref<8192x256xf32, #tpu.memory_space<hbm>> -> memref<8192x256xf32, #tpu.memory_space<hbm>>
    tpu.wait_indirect_dma semaphore(%arg8 : memref<!tpu.dma_semaphore, #tpu.memory_space<semaphore_mem>>) src(%dma_wait3A_62 : memref<8192x256xf32, #tpu.memory_space<hbm>>) dst(%dma_wait3A_56 : memref<128x256xf32, #tpu.memory_space<vmem>>)
    %add3A_63 = arith.constant 128 : i32
    %add3A_64 = arith.addi %mul3A_2, %add3A_63 : i32
    %run_scoped3A_65 = arith.constant 1 : i32
    "tpu.region"() ({
      %run_scoped3A_108 = tpu.sem_alloc : memref<!tpu.dma_semaphore, #tpu.memory_space<semaphore_mem>>
      %dma_start3A_109 = arith.constant 0 : i32
      %dma_start3A_110 = arith.constant 0 : i32
      %dma_start3A_111 = tpu.memref_slice %arg6[%run_scoped3A_65, %dma_start3A_109, %dma_start3A_110] : memref<2x128x256xf32, #tpu.memory_space<vmem>> -> memref<1x128x256xf32, #tpu.memory_space<vmem>>
      %dma_start3A_112 = tpu.memref_squeeze %dma_start3A_111 : memref<1x128x256xf32, #tpu.memory_space<vmem>> -> memref<128x256xf32, #tpu.memory_space<vmem>>
      %dma_start3A_113 = arith.constant 0 : i32
      %dma_start3A_114 = tpu.memref_slice %arg4[%add3A_64, %dma_start3A_113] : memref<16384x256xf32, #tpu.memory_space<hbm>> -> memref<128x256xf32, #tpu.memory_space<hbm>>
      %dma_start3A_115 = arith.constant 0 : i32
      %dma_start3A_116 = tpu.memref_slice %arg4[%add3A_64, %dma_start3A_115] : memref<16384x256xf32, #tpu.memory_space<hbm>> -> memref<128x256xf32, #tpu.memory_space<hbm>>
      %dma_start3A_117 = arith.constant 0 : i32
      %dma_start3A_118 = arith.constant 0 : i32
      %dma_start3A_119 = tpu.memref_slice %arg6[%run_scoped3A_65, %dma_start3A_117, %dma_start3A_118] : memref<2x128x256xf32, #tpu.memory_space<vmem>> -> memref<1x128x256xf32, #tpu.memory_space<vmem>>
      %dma_start3A_120 = tpu.memref_squeeze %dma_start3A_119 : memref<1x128x256xf32, #tpu.memory_space<vmem>> -> memref<128x256xf32, #tpu.memory_space<vmem>>
      tpu.enqueue_dma source(%dma_start3A_120 : memref<128x256xf32, #tpu.memory_space<vmem>>) target(%dma_start3A_116 : memref<128x256xf32, #tpu.memory_space<hbm>>) target_semaphore(%run_scoped3A_108 : memref<!tpu.dma_semaphore, #tpu.memory_space<semaphore_mem>>)
      %dma_wait3A_121 = arith.constant 0 : i32
      %dma_wait3A_122 = arith.constant 0 : i32
      %dma_wait3A_123 = tpu.memref_slice %arg6[%run_scoped3A_65, %dma_wait3A_121, %dma_wait3A_122] : memref<2x128x256xf32, #tpu.memory_space<vmem>> -> memref<1x128x256xf32, #tpu.memory_space<vmem>>
      %dma_wait3A_124 = tpu.memref_squeeze %dma_wait3A_123 : memref<1x128x256xf32, #tpu.memory_space<vmem>> -> memref<128x256xf32, #tpu.memory_space<vmem>>
      %dma_wait3A_125 = arith.constant 0 : i32
      %dma_wait3A_126 = tpu.memref_slice %arg4[%add3A_64, %dma_wait3A_125] : memref<16384x256xf32, #tpu.memory_space<hbm>> -> memref<128x256xf32, #tpu.memory_space<hbm>>
      %dma_wait3A_127 = arith.constant 0 : i32
      %dma_wait3A_128 = tpu.memref_slice %arg4[%add3A_64, %dma_wait3A_127] : memref<16384x256xf32, #tpu.memory_space<hbm>> -> memref<128x256xf32, #tpu.memory_space<hbm>>
      %dma_wait3A_129 = arith.constant 0 : i32
      %dma_wait3A_130 = arith.constant 0 : i32
      %dma_wait3A_131 = tpu.memref_slice %arg6[%run_scoped3A_65, %dma_wait3A_129, %dma_wait3A_130] : memref<2x128x256xf32, #tpu.memory_space<vmem>> -> memref<1x128x256xf32, #tpu.memory_space<vmem>>
      %dma_wait3A_132 = tpu.memref_squeeze %dma_wait3A_131 : memref<1x128x256xf32, #tpu.memory_space<vmem>> -> memref<128x256xf32, #tpu.memory_space<vmem>>
      tpu.wait_dma2 semaphore(%run_scoped3A_108 : memref<!tpu.dma_semaphore, #tpu.memory_space<semaphore_mem>>) src(%dma_wait3A_132 : memref<128x256xf32, #tpu.memory_space<vmem>>) dst(%dma_wait3A_128 : memref<128x256xf32, #tpu.memory_space<hbm>>)
      tpu.yield
    }) : () -> ()
    %dma_start3A_66 = arith.constant 3 : i32
    %dma_start3A_67 = arith.constant 1 : i32
    %dma_start3A_68 = arith.constant 0 : i32
    %dma_start3A_69 = arith.constant 0 : i32
    %dma_start3A_70 = tpu.memref_slice %arg6[%dma_start3A_67, %dma_start3A_68, %dma_start3A_69] : memref<2x128x256xf32, #tpu.memory_space<vmem>> -> memref<1x128x256xf32, #tpu.memory_space<vmem>>
    %dma_start3A_71 = tpu.memref_squeeze %dma_start3A_70 : memref<1x128x256xf32, #tpu.memory_space<vmem>> -> memref<128x256xf32, #tpu.memory_space<vmem>>
    %dma_start3A_72 = arith.constant 0 : i32
    %dma_start3A_73 = tpu.memref_slice %arg5[%dma_start3A_66, %dma_start3A_72] : memref<4x128xi32, #tpu.memory_space<vmem>> -> memref<1x128xi32, #tpu.memory_space<vmem>>
    %dma_start3A_74 = tpu.memref_squeeze %dma_start3A_73 : memref<1x128xi32, #tpu.memory_space<vmem>> -> memref<128xi32, #tpu.memory_space<vmem>>
    %dma_start3A_75 = arith.constant 0 : i32
    %dma_start3A_76 = arith.constant 0 : i32
    %dma_start3A_77 = tpu.memref_slice %arg2[%dma_start3A_75, %dma_start3A_76] : memref<8192x256xf32, #tpu.memory_space<hbm>> -> memref<8192x256xf32, #tpu.memory_space<hbm>>
    tpu.enqueue_indirect_dma source(%dma_start3A_77 : memref<8192x256xf32, #tpu.memory_space<hbm>>) target(%dma_start3A_71 : memref<128x256xf32, #tpu.memory_space<vmem>>) offsets(%dma_start3A_74 : memref<128xi32, #tpu.memory_space<vmem>>) semaphore(%arg8 : memref<!tpu.dma_semaphore, #tpu.memory_space<semaphore_mem>>)
    %dma_wait3A_78 = arith.constant 2 : i32
    %dma_wait3A_79 = arith.constant 0 : i32
    %dma_wait3A_80 = arith.constant 0 : i32
    %dma_wait3A_81 = arith.constant 0 : i32
    %dma_wait3A_82 = tpu.memref_slice %arg6[%dma_wait3A_79, %dma_wait3A_80, %dma_wait3A_81] : memref<2x128x256xf32, #tpu.memory_space<vmem>> -> memref<1x128x256xf32, #tpu.memory_space<vmem>>
    %dma_wait3A_83 = tpu.memref_squeeze %dma_wait3A_82 : memref<1x128x256xf32, #tpu.memory_space<vmem>> -> memref<128x256xf32, #tpu.memory_space<vmem>>
    %dma_wait3A_84 = arith.constant 0 : i32
    %dma_wait3A_85 = tpu.memref_slice %arg5[%dma_wait3A_78, %dma_wait3A_84] : memref<4x128xi32, #tpu.memory_space<vmem>> -> memref<1x128xi32, #tpu.memory_space<vmem>>
    %dma_wait3A_86 = tpu.memref_squeeze %dma_wait3A_85 : memref<1x128xi32, #tpu.memory_space<vmem>> -> memref<128xi32, #tpu.memory_space<vmem>>
    %dma_wait3A_87 = arith.constant 0 : i32
    %dma_wait3A_88 = arith.constant 0 : i32
    %dma_wait3A_89 = tpu.memref_slice %arg2[%dma_wait3A_87, %dma_wait3A_88] : memref<8192x256xf32, #tpu.memory_space<hbm>> -> memref<8192x256xf32, #tpu.memory_space<hbm>>
    tpu.wait_indirect_dma semaphore(%arg7 : memref<!tpu.dma_semaphore, #tpu.memory_space<semaphore_mem>>) src(%dma_wait3A_89 : memref<8192x256xf32, #tpu.memory_space<hbm>>) dst(%dma_wait3A_83 : memref<128x256xf32, #tpu.memory_space<vmem>>)
    %add3A_90 = arith.constant 256 : i32
    %add3A_91 = arith.addi %mul3A_2, %add3A_90 : i32
    %run_scoped3A_92 = arith.constant 0 : i32
    "tpu.region"() ({
      %run_scoped3A_108 = tpu.sem_alloc : memref<!tpu.dma_semaphore, #tpu.memory_space<semaphore_mem>>
      %dma_start3A_109 = arith.constant 0 : i32
      %dma_start3A_110 = arith.constant 0 : i32
      %dma_start3A_111 = tpu.memref_slice %arg6[%run_scoped3A_92, %dma_start3A_109, %dma_start3A_110] : memref<2x128x256xf32, #tpu.memory_space<vmem>> -> memref<1x128x256xf32, #tpu.memory_space<vmem>>
      %dma_start3A_112 = tpu.memref_squeeze %dma_start3A_111 : memref<1x128x256xf32, #tpu.memory_space<vmem>> -> memref<128x256xf32, #tpu.memory_space<vmem>>
      %dma_start3A_113 = arith.constant 0 : i32
      %dma_start3A_114 = tpu.memref_slice %arg4[%add3A_91, %dma_start3A_113] : memref<16384x256xf32, #tpu.memory_space<hbm>> -> memref<128x256xf32, #tpu.memory_space<hbm>>
      %dma_start3A_115 = arith.constant 0 : i32
      %dma_start3A_116 = tpu.memref_slice %arg4[%add3A_91, %dma_start3A_115] : memref<16384x256xf32, #tpu.memory_space<hbm>> -> memref<128x256xf32, #tpu.memory_space<hbm>>
      %dma_start3A_117 = arith.constant 0 : i32
      %dma_start3A_118 = arith.constant 0 : i32
      %dma_start3A_119 = tpu.memref_slice %arg6[%run_scoped3A_92, %dma_start3A_117, %dma_start3A_118] : memref<2x128x256xf32, #tpu.memory_space<vmem>> -> memref<1x128x256xf32, #tpu.memory_space<vmem>>
      %dma_start3A_120 = tpu.memref_squeeze %dma_start3A_119 : memref<1x128x256xf32, #tpu.memory_space<vmem>> -> memref<128x256xf32, #tpu.memory_space<vmem>>
      tpu.enqueue_dma source(%dma_start3A_120 : memref<128x256xf32, #tpu.memory_space<vmem>>) target(%dma_start3A_116 : memref<128x256xf32, #tpu.memory_space<hbm>>) target_semaphore(%run_scoped3A_108 : memref<!tpu.dma_semaphore, #tpu.memory_space<semaphore_mem>>)
      %dma_wait3A_121 = arith.constant 0 : i32
      %dma_wait3A_122 = arith.constant 0 : i32
      %dma_wait3A_123 = tpu.memref_slice %arg6[%run_scoped3A_92, %dma_wait3A_121, %dma_wait3A_122] : memref<2x128x256xf32, #tpu.memory_space<vmem>> -> memref<1x128x256xf32, #tpu.memory_space<vmem>>
      %dma_wait3A_124 = tpu.memref_squeeze %dma_wait3A_123 : memref<1x128x256xf32, #tpu.memory_space<vmem>> -> memref<128x256xf32, #tpu.memory_space<vmem>>
      %dma_wait3A_125 = arith.constant 0 : i32
      %dma_wait3A_126 = tpu.memref_slice %arg4[%add3A_91, %dma_wait3A_125] : memref<16384x256xf32, #tpu.memory_space<hbm>> -> memref<128x256xf32, #tpu.memory_space<hbm>>
      %dma_wait3A_127 = arith.constant 0 : i32
      %dma_wait3A_128 = tpu.memref_slice %arg4[%add3A_91, %dma_wait3A_127] : memref<16384x256xf32, #tpu.memory_space<hbm>> -> memref<128x256xf32, #tpu.memory_space<hbm>>
      %dma_wait3A_129 = arith.constant 0 : i32
      %dma_wait3A_130 = arith.constant 0 : i32
      %dma_wait3A_131 = tpu.memref_slice %arg6[%run_scoped3A_92, %dma_wait3A_129, %dma_wait3A_130] : memref<2x128x256xf32, #tpu.memory_space<vmem>> -> memref<1x128x256xf32, #tpu.memory_space<vmem>>
      %dma_wait3A_132 = tpu.memref_squeeze %dma_wait3A_131 : memref<1x128x256xf32, #tpu.memory_space<vmem>> -> memref<128x256xf32, #tpu.memory_space<vmem>>
      tpu.wait_dma2 semaphore(%run_scoped3A_108 : memref<!tpu.dma_semaphore, #tpu.memory_space<semaphore_mem>>) src(%dma_wait3A_132 : memref<128x256xf32, #tpu.memory_space<vmem>>) dst(%dma_wait3A_128 : memref<128x256xf32, #tpu.memory_space<hbm>>)
      tpu.yield
    }) : () -> ()
    %dma_wait3A_93 = arith.constant 3 : i32
    %dma_wait3A_94 = arith.constant 1 : i32
    %dma_wait3A_95 = arith.constant 0 : i32
    %dma_wait3A_96 = arith.constant 0 : i32
    %dma_wait3A_97 = tpu.memref_slice %arg6[%dma_wait3A_94, %dma_wait3A_95, %dma_wait3A_96] : memref<2x128x256xf32, #tpu.memory_space<vmem>> -> memref<1x128x256xf32, #tpu.memory_space<vmem>>
    %dma_wait3A_98 = tpu.memref_squeeze %dma_wait3A_97 : memref<1x128x256xf32, #tpu.memory_space<vmem>> -> memref<128x256xf32, #tpu.memory_space<vmem>>
    %dma_wait3A_99 = arith.constant 0 : i32
    %dma_wait3A_100 = tpu.memref_slice %arg5[%dma_wait3A_93, %dma_wait3A_99] : memref<4x128xi32, #tpu.memory_space<vmem>> -> memref<1x128xi32, #tpu.memory_space<vmem>>
    %dma_wait3A_101 = tpu.memref_squeeze %dma_wait3A_100 : memref<1x128xi32, #tpu.memory_space<vmem>> -> memref<128xi32, #tpu.memory_space<vmem>>
    %dma_wait3A_102 = arith.constant 0 : i32
    %dma_wait3A_103 = arith.constant 0 : i32
    %dma_wait3A_104 = tpu.memref_slice %arg2[%dma_wait3A_102, %dma_wait3A_103] : memref<8192x256xf32, #tpu.memory_space<hbm>> -> memref<8192x256xf32, #tpu.memory_space<hbm>>
    tpu.wait_indirect_dma semaphore(%arg8 : memref<!tpu.dma_semaphore, #tpu.memory_space<semaphore_mem>>) src(%dma_wait3A_104 : memref<8192x256xf32, #tpu.memory_space<hbm>>) dst(%dma_wait3A_98 : memref<128x256xf32, #tpu.memory_space<vmem>>)
    %add3A_105 = arith.constant 384 : i32
    %add3A_106 = arith.addi %mul3A_2, %add3A_105 : i32
    %run_scoped3A_107 = arith.constant 1 : i32
    "tpu.region"() ({
      %run_scoped3A_108 = tpu.sem_alloc : memref<!tpu.dma_semaphore, #tpu.memory_space<semaphore_mem>>
      %dma_start3A_109 = arith.constant 0 : i32
      %dma_start3A_110 = arith.constant 0 : i32
      %dma_start3A_111 = tpu.memref_slice %arg6[%run_scoped3A_107, %dma_start3A_109, %dma_start3A_110] : memref<2x128x256xf32, #tpu.memory_space<vmem>> -> memref<1x128x256xf32, #tpu.memory_space<vmem>>
      %dma_start3A_112 = tpu.memref_squeeze %dma_start3A_111 : memref<1x128x256xf32, #tpu.memory_space<vmem>> -> memref<128x256xf32, #tpu.memory_space<vmem>>
      %dma_start3A_113 = arith.constant 0 : i32
      %dma_start3A_114 = tpu.memref_slice %arg4[%add3A_106, %dma_start3A_113] : memref<16384x256xf32, #tpu.memory_space<hbm>> -> memref<128x256xf32, #tpu.memory_space<hbm>>
      %dma_start3A_115 = arith.constant 0 : i32
      %dma_start3A_116 = tpu.memref_slice %arg4[%add3A_106, %dma_start3A_115] : memref<16384x256xf32, #tpu.memory_space<hbm>> -> memref<128x256xf32, #tpu.memory_space<hbm>>
      %dma_start3A_117 = arith.constant 0 : i32
      %dma_start3A_118 = arith.constant 0 : i32
      %dma_start3A_119 = tpu.memref_slice %arg6[%run_scoped3A_107, %dma_start3A_117, %dma_start3A_118] : memref<2x128x256xf32, #tpu.memory_space<vmem>> -> memref<1x128x256xf32, #tpu.memory_space<vmem>>
      %dma_start3A_120 = tpu.memref_squeeze %dma_start3A_119 : memref<1x128x256xf32, #tpu.memory_space<vmem>> -> memref<128x256xf32, #tpu.memory_space<vmem>>
      tpu.enqueue_dma source(%dma_start3A_120 : memref<128x256xf32, #tpu.memory_space<vmem>>) target(%dma_start3A_116 : memref<128x256xf32, #tpu.memory_space<hbm>>) target_semaphore(%run_scoped3A_108 : memref<!tpu.dma_semaphore, #tpu.memory_space<semaphore_mem>>)
      %dma_wait3A_121 = arith.constant 0 : i32
      %dma_wait3A_122 = arith.constant 0 : i32
      %dma_wait3A_123 = tpu.memref_slice %arg6[%run_scoped3A_107, %dma_wait3A_121, %dma_wait3A_122] : memref<2x128x256xf32, #tpu.memory_space<vmem>> -> memref<1x128x256xf32, #tpu.memory_space<vmem>>
      %dma_wait3A_124 = tpu.memref_squeeze %dma_wait3A_123 : memref<1x128x256xf32, #tpu.memory_space<vmem>> -> memref<128x256xf32, #tpu.memory_space<vmem>>
      %dma_wait3A_125 = arith.constant 0 : i32
      %dma_wait3A_126 = tpu.memref_slice %arg4[%add3A_106, %dma_wait3A_125] : memref<16384x256xf32, #tpu.memory_space<hbm>> -> memref<128x256xf32, #tpu.memory_space<hbm>>
      %dma_wait3A_127 = arith.constant 0 : i32
      %dma_wait3A_128 = tpu.memref_slice %arg4[%add3A_106, %dma_wait3A_127] : memref<16384x256xf32, #tpu.memory_space<hbm>> -> memref<128x256xf32, #tpu.memory_space<hbm>>
      %dma_wait3A_129 = arith.constant 0 : i32
      %dma_wait3A_130 = arith.constant 0 : i32
      %dma_wait3A_131 = tpu.memref_slice %arg6[%run_scoped3A_107, %dma_wait3A_129, %dma_wait3A_130] : memref<2x128x256xf32, #tpu.memory_space<vmem>> -> memref<1x128x256xf32, #tpu.memory_space<vmem>>
      %dma_wait3A_132 = tpu.memref_squeeze %dma_wait3A_131 : memref<1x128x256xf32, #tpu.memory_space<vmem>> -> memref<128x256xf32, #tpu.memory_space<vmem>>
      tpu.wait_dma2 semaphore(%run_scoped3A_108 : memref<!tpu.dma_semaphore, #tpu.memory_space<semaphore_mem>>) src(%dma_wait3A_132 : memref<128x256xf32, #tpu.memory_space<vmem>>) dst(%dma_wait3A_128 : memref<128x256xf32, #tpu.memory_space<hbm>>)
      tpu.yield
    }) : () -> ()
    return
  }
}

module attributes {stable_mosaic.version = 14 : i64} {
  func.func @_argmin_kernel(%arg0: i32, %arg1: i32, %arg2: memref<2048x256xbf16, #tpu.memory_space<vmem>>, %arg3: memref<512x256xf32, #tpu.memory_space<vmem>>, %arg4: memref<1x2048xf32, #tpu.memory_space<vmem>>, %arg5: memref<1x2048xi32, #tpu.memory_space<vmem>>, %arg6: memref<8x2048xf32, #tpu.memory_space<vmem>>, %arg7: memref<8x2048xf32, #tpu.memory_space<vmem>>, %arg8: memref<1x2048xf32, #tpu.memory_space<vmem>>, %arg9: memref<1x2048xf32, #tpu.memory_space<vmem>>) attributes {dimension_semantics = [#tpu.dimension_semantics<arbitrary>, #tpu.dimension_semantics<arbitrary>], iteration_bounds = array<i64: 8, 16>, scalar_prefetch = 0 : i64, scratch_operands = 4 : i64, tpu.core_type = #tpu.core_type<tc>, window_params = [{transform_indices = @transform_0, window_bounds = array<i64: 2048, 256>}, {transform_indices = @transform_1, window_bounds = array<i64: 512, 256>}, {transform_indices = @transform_2, window_bounds = array<i64: 1, 2048>}, {transform_indices = @transform_3, window_bounds = array<i64: 1, 2048>}]} {
    %jit3A = arith.constant 8 : i32
    %eq3A = arith.constant 0 : i32
    %eq3A_0 = arith.cmpi eq, %jit3A, %eq3A : i32
    %jit3A_1 = arith.constant 1 : i32
    %select_n3A = arith.select %eq3A_0, %jit3A_1, %jit3A : i32
    %rem3A = arith.remsi %arg1, %select_n3A : i32
    %ne3A = arith.constant 0 : i32
    %ne3A_2 = arith.cmpi ne, %rem3A, %ne3A : i32
    %lt3A = arith.constant 0 : i32
    %lt3A_3 = arith.cmpi slt, %rem3A, %lt3A : i32
    %lt3A_4 = arith.constant 0 : i32
    %lt3A_5 = arith.cmpi slt, %select_n3A, %lt3A_4 : i32
    %ne3A_6 = arith.xori %lt3A_3, %lt3A_5 : i1
    %and3A = arith.andi %ne3A_6, %ne3A_2 : i1
    %add3A = arith.addi %rem3A, %select_n3A : i32
    %select_n3A_7 = arith.select %and3A, %add3A, %rem3A : i32
    %eq3A_8 = arith.constant 0 : i32
    %eq3A_9 = arith.cmpi eq, %select_n3A_7, %eq3A_8 : i32
    %convert_element_type3A = arith.extui %eq3A_9 : i1 to i32
    %cond3A = arith.constant 0 : i32
    %cond3A_10 = arith.cmpi ne, %convert_element_type3A, %cond3A : i32
    scf.if %cond3A_10 {
      %broadcast_in_dim3A = arith.constant 3.000000e+38 : f32
      %broadcast_in_dim3A_694 = vector.broadcast %broadcast_in_dim3A : f32 to vector<8x2048xf32>
      %swap3A_695 = arith.constant 0 : index
      %swap3A_696 = arith.constant 0 : index
      %swap3A_697 = vector.load %arg6[%swap3A_695, %swap3A_696] : memref<8x2048xf32, #tpu.memory_space<vmem>>, vector<8x2048xf32>
      tpu.vector_store %arg6[%swap3A_695, %swap3A_696], %broadcast_in_dim3A_694 {strides = array<i32>} : memref<8x2048xf32, #tpu.memory_space<vmem>>, vector<8x2048xf32>,
      %broadcast_in_dim3A_698 = arith.constant 0.000000e+00 : f32
      %broadcast_in_dim3A_699 = vector.broadcast %broadcast_in_dim3A_698 : f32 to vector<8x2048xf32>
      %swap3A_700 = arith.constant 0 : index
      %swap3A_701 = arith.constant 0 : index
      %swap3A_702 = vector.load %arg7[%swap3A_700, %swap3A_701] : memref<8x2048xf32, #tpu.memory_space<vmem>>, vector<8x2048xf32>
      tpu.vector_store %arg7[%swap3A_700, %swap3A_701], %broadcast_in_dim3A_699 {strides = array<i32>} : memref<8x2048xf32, #tpu.memory_space<vmem>>, vector<8x2048xf32>,
    } else {
    }
    %get3A = arith.constant 0 : index
    %get3A_11 = arith.constant 0 : index
    %get3A_12 = vector.load %arg2[%get3A, %get3A_11] : memref<2048x256xbf16, #tpu.memory_space<vmem>>, vector<2048x256xbf16>
    %get3A_13 = arith.constant 0 : index
    %get3A_14 = arith.constant 0 : index
    %get3A_15 = vector.load %arg3[%get3A_13, %get3A_14] : memref<512x256xf32, #tpu.memory_space<vmem>>, vector<512x256xf32>
    %get3A_16 = arith.constant 0 : index
    %get3A_17 = arith.constant 0 : index
    %get3A_18 = vector.load %arg4[%get3A_16, %get3A_17] : memref<1x2048xf32, #tpu.memory_space<vmem>>, vector<1x2048xf32>
    %dot_general3A = arith.constant dense<0.000000e+00> : vector<512x2048xf32>
    %dot_general3A_19 = tpu.matmul %get3A_15, %get3A_12, %dot_general3A {dimension_numbers = #tpu.dot_dimension_numbers<[1], [1], [0], [0], [0, 0, 1, 0], [], []>, transpose_lhs_hint = false} : vector<512x256xf32>, vector<2048x256xbf16>, vector<512x2048xf32> -> vector<512x2048xf32>
    %get3A_20 = arith.constant 0 : index
    %get3A_21 = arith.constant 0 : index
    %get3A_22 = vector.load %arg6[%get3A_20, %get3A_21] : memref<8x2048xf32, #tpu.memory_space<vmem>>, vector<8x2048xf32>
    %get3A_23 = arith.constant 0 : index
    %get3A_24 = arith.constant 0 : index
    %get3A_25 = vector.load %arg7[%get3A_23, %get3A_24] : memref<8x2048xf32, #tpu.memory_space<vmem>>, vector<8x2048xf32>
    %iota3A = tpu.iota {dimensions = array<i32: 0>} : vector<8x2048xi32>
    %convert_element_type3A_26 = arith.sitofp %iota3A : vector<8x2048xi32> to vector<8x2048xf32>
    %mul3A = arith.constant 512 : i32
    %mul3A_27 = arith.muli %arg1, %mul3A : i32
    %convert_element_type3A_28 = arith.sitofp %mul3A_27 : i32 to f32
    %slice3A = vector.extract_strided_slice %dot_general3A_19 {offsets = [0, 0], sizes = [8, 2048], strides = [1, 1]} : vector<512x2048xf32> to vector<8x2048xf32>
    %add3A_29 = vector.broadcast %get3A_18 : vector<1x2048xf32> to vector<8x2048xf32>
    %add3A_30 = arith.addf %add3A_29, %slice3A : vector<8x2048xf32>
    %lt3A_31 = arith.cmpf olt, %add3A_30, %get3A_22 : vector<8x2048xf32>
    %select_n3A_32 = arith.select %lt3A_31, %add3A_30, %get3A_22 : vector<8x2048xi1>, vector<8x2048xf32>
    %add3A_33 = arith.constant 0.000000e+00 : f32
    %add3A_34 = arith.addf %convert_element_type3A_28, %add3A_33 : f32
    %add3A_35 = vector.broadcast %add3A_34 : f32 to vector<8x2048xf32>
    %add3A_36 = arith.addf %convert_element_type3A_26, %add3A_35 : vector<8x2048xf32>
    %select_n3A_37 = arith.select %lt3A_31, %add3A_36, %get3A_25 : vector<8x2048xi1>, vector<8x2048xf32>
    %slice3A_38 = vector.extract_strided_slice %dot_general3A_19 {offsets = [8, 0], sizes = [8, 2048], strides = [1, 1]} : vector<512x2048xf32> to vector<8x2048xf32>
    %add3A_39 = vector.broadcast %get3A_18 : vector<1x2048xf32> to vector<8x2048xf32>
    %add3A_40 = arith.addf %add3A_39, %slice3A_38 : vector<8x2048xf32>
    %lt3A_41 = arith.cmpf olt, %add3A_40, %select_n3A_32 : vector<8x2048xf32>
    %select_n3A_42 = arith.select %lt3A_41, %add3A_40, %select_n3A_32 : vector<8x2048xi1>, vector<8x2048xf32>
    %add3A_43 = arith.constant 8.000000e+00 : f32
    %add3A_44 = arith.addf %convert_element_type3A_28, %add3A_43 : f32
    %add3A_45 = vector.broadcast %add3A_44 : f32 to vector<8x2048xf32>
    %add3A_46 = arith.addf %convert_element_type3A_26, %add3A_45 : vector<8x2048xf32>
    %select_n3A_47 = arith.select %lt3A_41, %add3A_46, %select_n3A_37 : vector<8x2048xi1>, vector<8x2048xf32>
    %slice3A_48 = vector.extract_strided_slice %dot_general3A_19 {offsets = [16, 0], sizes = [8, 2048], strides = [1, 1]} : vector<512x2048xf32> to vector<8x2048xf32>
    %add3A_49 = vector.broadcast %get3A_18 : vector<1x2048xf32> to vector<8x2048xf32>
    %add3A_50 = arith.addf %add3A_49, %slice3A_48 : vector<8x2048xf32>
    %lt3A_51 = arith.cmpf olt, %add3A_50, %select_n3A_42 : vector<8x2048xf32>
    %select_n3A_52 = arith.select %lt3A_51, %add3A_50, %select_n3A_42 : vector<8x2048xi1>, vector<8x2048xf32>
    %add3A_53 = arith.constant 1.600000e+01 : f32
    %add3A_54 = arith.addf %convert_element_type3A_28, %add3A_53 : f32
    %add3A_55 = vector.broadcast %add3A_54 : f32 to vector<8x2048xf32>
    %add3A_56 = arith.addf %convert_element_type3A_26, %add3A_55 : vector<8x2048xf32>
    %select_n3A_57 = arith.select %lt3A_51, %add3A_56, %select_n3A_47 : vector<8x2048xi1>, vector<8x2048xf32>
    %slice3A_58 = vector.extract_strided_slice %dot_general3A_19 {offsets = [24, 0], sizes = [8, 2048], strides = [1, 1]} : vector<512x2048xf32> to vector<8x2048xf32>
    %add3A_59 = vector.broadcast %get3A_18 : vector<1x2048xf32> to vector<8x2048xf32>
    %add3A_60 = arith.addf %add3A_59, %slice3A_58 : vector<8x2048xf32>
    %lt3A_61 = arith.cmpf olt, %add3A_60, %select_n3A_52 : vector<8x2048xf32>
    %select_n3A_62 = arith.select %lt3A_61, %add3A_60, %select_n3A_52 : vector<8x2048xi1>, vector<8x2048xf32>
    %add3A_63 = arith.constant 2.400000e+01 : f32
    %add3A_64 = arith.addf %convert_element_type3A_28, %add3A_63 : f32
    %add3A_65 = vector.broadcast %add3A_64 : f32 to vector<8x2048xf32>
    %add3A_66 = arith.addf %convert_element_type3A_26, %add3A_65 : vector<8x2048xf32>
    %select_n3A_67 = arith.select %lt3A_61, %add3A_66, %select_n3A_57 : vector<8x2048xi1>, vector<8x2048xf32>
    %slice3A_68 = vector.extract_strided_slice %dot_general3A_19 {offsets = [32, 0], sizes = [8, 2048], strides = [1, 1]} : vector<512x2048xf32> to vector<8x2048xf32>
    %add3A_69 = vector.broadcast %get3A_18 : vector<1x2048xf32> to vector<8x2048xf32>
    %add3A_70 = arith.addf %add3A_69, %slice3A_68 : vector<8x2048xf32>
    %lt3A_71 = arith.cmpf olt, %add3A_70, %select_n3A_62 : vector<8x2048xf32>
    %select_n3A_72 = arith.select %lt3A_71, %add3A_70, %select_n3A_62 : vector<8x2048xi1>, vector<8x2048xf32>
    %add3A_73 = arith.constant 3.200000e+01 : f32
    %add3A_74 = arith.addf %convert_element_type3A_28, %add3A_73 : f32
    %add3A_75 = vector.broadcast %add3A_74 : f32 to vector<8x2048xf32>
    %add3A_76 = arith.addf %convert_element_type3A_26, %add3A_75 : vector<8x2048xf32>
    %select_n3A_77 = arith.select %lt3A_71, %add3A_76, %select_n3A_67 : vector<8x2048xi1>, vector<8x2048xf32>
    %slice3A_78 = vector.extract_strided_slice %dot_general3A_19 {offsets = [40, 0], sizes = [8, 2048], strides = [1, 1]} : vector<512x2048xf32> to vector<8x2048xf32>
    %add3A_79 = vector.broadcast %get3A_18 : vector<1x2048xf32> to vector<8x2048xf32>
    %add3A_80 = arith.addf %add3A_79, %slice3A_78 : vector<8x2048xf32>
    %lt3A_81 = arith.cmpf olt, %add3A_80, %select_n3A_72 : vector<8x2048xf32>
    %select_n3A_82 = arith.select %lt3A_81, %add3A_80, %select_n3A_72 : vector<8x2048xi1>, vector<8x2048xf32>
    %add3A_83 = arith.constant 4.000000e+01 : f32
    %add3A_84 = arith.addf %convert_element_type3A_28, %add3A_83 : f32
    %add3A_85 = vector.broadcast %add3A_84 : f32 to vector<8x2048xf32>
    %add3A_86 = arith.addf %convert_element_type3A_26, %add3A_85 : vector<8x2048xf32>
    %select_n3A_87 = arith.select %lt3A_81, %add3A_86, %select_n3A_77 : vector<8x2048xi1>, vector<8x2048xf32>
    %slice3A_88 = vector.extract_strided_slice %dot_general3A_19 {offsets = [48, 0], sizes = [8, 2048], strides = [1, 1]} : vector<512x2048xf32> to vector<8x2048xf32>
    %add3A_89 = vector.broadcast %get3A_18 : vector<1x2048xf32> to vector<8x2048xf32>
    %add3A_90 = arith.addf %add3A_89, %slice3A_88 : vector<8x2048xf32>
    %lt3A_91 = arith.cmpf olt, %add3A_90, %select_n3A_82 : vector<8x2048xf32>
    %select_n3A_92 = arith.select %lt3A_91, %add3A_90, %select_n3A_82 : vector<8x2048xi1>, vector<8x2048xf32>
    %add3A_93 = arith.constant 4.800000e+01 : f32
    %add3A_94 = arith.addf %convert_element_type3A_28, %add3A_93 : f32
    %add3A_95 = vector.broadcast %add3A_94 : f32 to vector<8x2048xf32>
    %add3A_96 = arith.addf %convert_element_type3A_26, %add3A_95 : vector<8x2048xf32>
    %select_n3A_97 = arith.select %lt3A_91, %add3A_96, %select_n3A_87 : vector<8x2048xi1>, vector<8x2048xf32>
    %slice3A_98 = vector.extract_strided_slice %dot_general3A_19 {offsets = [56, 0], sizes = [8, 2048], strides = [1, 1]} : vector<512x2048xf32> to vector<8x2048xf32>
    %add3A_99 = vector.broadcast %get3A_18 : vector<1x2048xf32> to vector<8x2048xf32>
    %add3A_100 = arith.addf %add3A_99, %slice3A_98 : vector<8x2048xf32>
    %lt3A_101 = arith.cmpf olt, %add3A_100, %select_n3A_92 : vector<8x2048xf32>
    %select_n3A_102 = arith.select %lt3A_101, %add3A_100, %select_n3A_92 : vector<8x2048xi1>, vector<8x2048xf32>
    %add3A_103 = arith.constant 5.600000e+01 : f32
    %add3A_104 = arith.addf %convert_element_type3A_28, %add3A_103 : f32
    %add3A_105 = vector.broadcast %add3A_104 : f32 to vector<8x2048xf32>
    %add3A_106 = arith.addf %convert_element_type3A_26, %add3A_105 : vector<8x2048xf32>
    %select_n3A_107 = arith.select %lt3A_101, %add3A_106, %select_n3A_97 : vector<8x2048xi1>, vector<8x2048xf32>
    %slice3A_108 = vector.extract_strided_slice %dot_general3A_19 {offsets = [64, 0], sizes = [8, 2048], strides = [1, 1]} : vector<512x2048xf32> to vector<8x2048xf32>
    %add3A_109 = vector.broadcast %get3A_18 : vector<1x2048xf32> to vector<8x2048xf32>
    %add3A_110 = arith.addf %add3A_109, %slice3A_108 : vector<8x2048xf32>
    %lt3A_111 = arith.cmpf olt, %add3A_110, %select_n3A_102 : vector<8x2048xf32>
    %select_n3A_112 = arith.select %lt3A_111, %add3A_110, %select_n3A_102 : vector<8x2048xi1>, vector<8x2048xf32>
    %add3A_113 = arith.constant 6.400000e+01 : f32
    %add3A_114 = arith.addf %convert_element_type3A_28, %add3A_113 : f32
    %add3A_115 = vector.broadcast %add3A_114 : f32 to vector<8x2048xf32>
    %add3A_116 = arith.addf %convert_element_type3A_26, %add3A_115 : vector<8x2048xf32>
    %select_n3A_117 = arith.select %lt3A_111, %add3A_116, %select_n3A_107 : vector<8x2048xi1>, vector<8x2048xf32>
    %slice3A_118 = vector.extract_strided_slice %dot_general3A_19 {offsets = [72, 0], sizes = [8, 2048], strides = [1, 1]} : vector<512x2048xf32> to vector<8x2048xf32>
    %add3A_119 = vector.broadcast %get3A_18 : vector<1x2048xf32> to vector<8x2048xf32>
    %add3A_120 = arith.addf %add3A_119, %slice3A_118 : vector<8x2048xf32>
    %lt3A_121 = arith.cmpf olt, %add3A_120, %select_n3A_112 : vector<8x2048xf32>
    %select_n3A_122 = arith.select %lt3A_121, %add3A_120, %select_n3A_112 : vector<8x2048xi1>, vector<8x2048xf32>
    %add3A_123 = arith.constant 7.200000e+01 : f32
    %add3A_124 = arith.addf %convert_element_type3A_28, %add3A_123 : f32
    %add3A_125 = vector.broadcast %add3A_124 : f32 to vector<8x2048xf32>
    %add3A_126 = arith.addf %convert_element_type3A_26, %add3A_125 : vector<8x2048xf32>
    %select_n3A_127 = arith.select %lt3A_121, %add3A_126, %select_n3A_117 : vector<8x2048xi1>, vector<8x2048xf32>
    %slice3A_128 = vector.extract_strided_slice %dot_general3A_19 {offsets = [80, 0], sizes = [8, 2048], strides = [1, 1]} : vector<512x2048xf32> to vector<8x2048xf32>
    %add3A_129 = vector.broadcast %get3A_18 : vector<1x2048xf32> to vector<8x2048xf32>
    %add3A_130 = arith.addf %add3A_129, %slice3A_128 : vector<8x2048xf32>
    %lt3A_131 = arith.cmpf olt, %add3A_130, %select_n3A_122 : vector<8x2048xf32>
    %select_n3A_132 = arith.select %lt3A_131, %add3A_130, %select_n3A_122 : vector<8x2048xi1>, vector<8x2048xf32>
    %add3A_133 = arith.constant 8.000000e+01 : f32
    %add3A_134 = arith.addf %convert_element_type3A_28, %add3A_133 : f32
    %add3A_135 = vector.broadcast %add3A_134 : f32 to vector<8x2048xf32>
    %add3A_136 = arith.addf %convert_element_type3A_26, %add3A_135 : vector<8x2048xf32>
    %select_n3A_137 = arith.select %lt3A_131, %add3A_136, %select_n3A_127 : vector<8x2048xi1>, vector<8x2048xf32>
    %slice3A_138 = vector.extract_strided_slice %dot_general3A_19 {offsets = [88, 0], sizes = [8, 2048], strides = [1, 1]} : vector<512x2048xf32> to vector<8x2048xf32>
    %add3A_139 = vector.broadcast %get3A_18 : vector<1x2048xf32> to vector<8x2048xf32>
    %add3A_140 = arith.addf %add3A_139, %slice3A_138 : vector<8x2048xf32>
    %lt3A_141 = arith.cmpf olt, %add3A_140, %select_n3A_132 : vector<8x2048xf32>
    %select_n3A_142 = arith.select %lt3A_141, %add3A_140, %select_n3A_132 : vector<8x2048xi1>, vector<8x2048xf32>
    %add3A_143 = arith.constant 8.800000e+01 : f32
    %add3A_144 = arith.addf %convert_element_type3A_28, %add3A_143 : f32
    %add3A_145 = vector.broadcast %add3A_144 : f32 to vector<8x2048xf32>
    %add3A_146 = arith.addf %convert_element_type3A_26, %add3A_145 : vector<8x2048xf32>
    %select_n3A_147 = arith.select %lt3A_141, %add3A_146, %select_n3A_137 : vector<8x2048xi1>, vector<8x2048xf32>
    %slice3A_148 = vector.extract_strided_slice %dot_general3A_19 {offsets = [96, 0], sizes = [8, 2048], strides = [1, 1]} : vector<512x2048xf32> to vector<8x2048xf32>
    %add3A_149 = vector.broadcast %get3A_18 : vector<1x2048xf32> to vector<8x2048xf32>
    %add3A_150 = arith.addf %add3A_149, %slice3A_148 : vector<8x2048xf32>
    %lt3A_151 = arith.cmpf olt, %add3A_150, %select_n3A_142 : vector<8x2048xf32>
    %select_n3A_152 = arith.select %lt3A_151, %add3A_150, %select_n3A_142 : vector<8x2048xi1>, vector<8x2048xf32>
    %add3A_153 = arith.constant 9.600000e+01 : f32
    %add3A_154 = arith.addf %convert_element_type3A_28, %add3A_153 : f32
    %add3A_155 = vector.broadcast %add3A_154 : f32 to vector<8x2048xf32>
    %add3A_156 = arith.addf %convert_element_type3A_26, %add3A_155 : vector<8x2048xf32>
    %select_n3A_157 = arith.select %lt3A_151, %add3A_156, %select_n3A_147 : vector<8x2048xi1>, vector<8x2048xf32>
    %slice3A_158 = vector.extract_strided_slice %dot_general3A_19 {offsets = [104, 0], sizes = [8, 2048], strides = [1, 1]} : vector<512x2048xf32> to vector<8x2048xf32>
    %add3A_159 = vector.broadcast %get3A_18 : vector<1x2048xf32> to vector<8x2048xf32>
    %add3A_160 = arith.addf %add3A_159, %slice3A_158 : vector<8x2048xf32>
    %lt3A_161 = arith.cmpf olt, %add3A_160, %select_n3A_152 : vector<8x2048xf32>
    %select_n3A_162 = arith.select %lt3A_161, %add3A_160, %select_n3A_152 : vector<8x2048xi1>, vector<8x2048xf32>
    %add3A_163 = arith.constant 1.040000e+02 : f32
    %add3A_164 = arith.addf %convert_element_type3A_28, %add3A_163 : f32
    %add3A_165 = vector.broadcast %add3A_164 : f32 to vector<8x2048xf32>
    %add3A_166 = arith.addf %convert_element_type3A_26, %add3A_165 : vector<8x2048xf32>
    %select_n3A_167 = arith.select %lt3A_161, %add3A_166, %select_n3A_157 : vector<8x2048xi1>, vector<8x2048xf32>
    %slice3A_168 = vector.extract_strided_slice %dot_general3A_19 {offsets = [112, 0], sizes = [8, 2048], strides = [1, 1]} : vector<512x2048xf32> to vector<8x2048xf32>
    %add3A_169 = vector.broadcast %get3A_18 : vector<1x2048xf32> to vector<8x2048xf32>
    %add3A_170 = arith.addf %add3A_169, %slice3A_168 : vector<8x2048xf32>
    %lt3A_171 = arith.cmpf olt, %add3A_170, %select_n3A_162 : vector<8x2048xf32>
    %select_n3A_172 = arith.select %lt3A_171, %add3A_170, %select_n3A_162 : vector<8x2048xi1>, vector<8x2048xf32>
    %add3A_173 = arith.constant 1.120000e+02 : f32
    %add3A_174 = arith.addf %convert_element_type3A_28, %add3A_173 : f32
    %add3A_175 = vector.broadcast %add3A_174 : f32 to vector<8x2048xf32>
    %add3A_176 = arith.addf %convert_element_type3A_26, %add3A_175 : vector<8x2048xf32>
    %select_n3A_177 = arith.select %lt3A_171, %add3A_176, %select_n3A_167 : vector<8x2048xi1>, vector<8x2048xf32>
    %slice3A_178 = vector.extract_strided_slice %dot_general3A_19 {offsets = [120, 0], sizes = [8, 2048], strides = [1, 1]} : vector<512x2048xf32> to vector<8x2048xf32>
    %add3A_179 = vector.broadcast %get3A_18 : vector<1x2048xf32> to vector<8x2048xf32>
    %add3A_180 = arith.addf %add3A_179, %slice3A_178 : vector<8x2048xf32>
    %lt3A_181 = arith.cmpf olt, %add3A_180, %select_n3A_172 : vector<8x2048xf32>
    %select_n3A_182 = arith.select %lt3A_181, %add3A_180, %select_n3A_172 : vector<8x2048xi1>, vector<8x2048xf32>
    %add3A_183 = arith.constant 1.200000e+02 : f32
    %add3A_184 = arith.addf %convert_element_type3A_28, %add3A_183 : f32
    %add3A_185 = vector.broadcast %add3A_184 : f32 to vector<8x2048xf32>
    %add3A_186 = arith.addf %convert_element_type3A_26, %add3A_185 : vector<8x2048xf32>
    %select_n3A_187 = arith.select %lt3A_181, %add3A_186, %select_n3A_177 : vector<8x2048xi1>, vector<8x2048xf32>
    %slice3A_188 = vector.extract_strided_slice %dot_general3A_19 {offsets = [128, 0], sizes = [8, 2048], strides = [1, 1]} : vector<512x2048xf32> to vector<8x2048xf32>
    %add3A_189 = vector.broadcast %get3A_18 : vector<1x2048xf32> to vector<8x2048xf32>
    %add3A_190 = arith.addf %add3A_189, %slice3A_188 : vector<8x2048xf32>
    %lt3A_191 = arith.cmpf olt, %add3A_190, %select_n3A_182 : vector<8x2048xf32>
    %select_n3A_192 = arith.select %lt3A_191, %add3A_190, %select_n3A_182 : vector<8x2048xi1>, vector<8x2048xf32>
    %add3A_193 = arith.constant 1.280000e+02 : f32
    %add3A_194 = arith.addf %convert_element_type3A_28, %add3A_193 : f32
    %add3A_195 = vector.broadcast %add3A_194 : f32 to vector<8x2048xf32>
    %add3A_196 = arith.addf %convert_element_type3A_26, %add3A_195 : vector<8x2048xf32>
    %select_n3A_197 = arith.select %lt3A_191, %add3A_196, %select_n3A_187 : vector<8x2048xi1>, vector<8x2048xf32>
    %slice3A_198 = vector.extract_strided_slice %dot_general3A_19 {offsets = [136, 0], sizes = [8, 2048], strides = [1, 1]} : vector<512x2048xf32> to vector<8x2048xf32>
    %add3A_199 = vector.broadcast %get3A_18 : vector<1x2048xf32> to vector<8x2048xf32>
    %add3A_200 = arith.addf %add3A_199, %slice3A_198 : vector<8x2048xf32>
    %lt3A_201 = arith.cmpf olt, %add3A_200, %select_n3A_192 : vector<8x2048xf32>
    %select_n3A_202 = arith.select %lt3A_201, %add3A_200, %select_n3A_192 : vector<8x2048xi1>, vector<8x2048xf32>
    %add3A_203 = arith.constant 1.360000e+02 : f32
    %add3A_204 = arith.addf %convert_element_type3A_28, %add3A_203 : f32
    %add3A_205 = vector.broadcast %add3A_204 : f32 to vector<8x2048xf32>
    %add3A_206 = arith.addf %convert_element_type3A_26, %add3A_205 : vector<8x2048xf32>
    %select_n3A_207 = arith.select %lt3A_201, %add3A_206, %select_n3A_197 : vector<8x2048xi1>, vector<8x2048xf32>
    %slice3A_208 = vector.extract_strided_slice %dot_general3A_19 {offsets = [144, 0], sizes = [8, 2048], strides = [1, 1]} : vector<512x2048xf32> to vector<8x2048xf32>
    %add3A_209 = vector.broadcast %get3A_18 : vector<1x2048xf32> to vector<8x2048xf32>
    %add3A_210 = arith.addf %add3A_209, %slice3A_208 : vector<8x2048xf32>
    %lt3A_211 = arith.cmpf olt, %add3A_210, %select_n3A_202 : vector<8x2048xf32>
    %select_n3A_212 = arith.select %lt3A_211, %add3A_210, %select_n3A_202 : vector<8x2048xi1>, vector<8x2048xf32>
    %add3A_213 = arith.constant 1.440000e+02 : f32
    %add3A_214 = arith.addf %convert_element_type3A_28, %add3A_213 : f32
    %add3A_215 = vector.broadcast %add3A_214 : f32 to vector<8x2048xf32>
    %add3A_216 = arith.addf %convert_element_type3A_26, %add3A_215 : vector<8x2048xf32>
    %select_n3A_217 = arith.select %lt3A_211, %add3A_216, %select_n3A_207 : vector<8x2048xi1>, vector<8x2048xf32>
    %slice3A_218 = vector.extract_strided_slice %dot_general3A_19 {offsets = [152, 0], sizes = [8, 2048], strides = [1, 1]} : vector<512x2048xf32> to vector<8x2048xf32>
    %add3A_219 = vector.broadcast %get3A_18 : vector<1x2048xf32> to vector<8x2048xf32>
    %add3A_220 = arith.addf %add3A_219, %slice3A_218 : vector<8x2048xf32>
    %lt3A_221 = arith.cmpf olt, %add3A_220, %select_n3A_212 : vector<8x2048xf32>
    %select_n3A_222 = arith.select %lt3A_221, %add3A_220, %select_n3A_212 : vector<8x2048xi1>, vector<8x2048xf32>
    %add3A_223 = arith.constant 1.520000e+02 : f32
    %add3A_224 = arith.addf %convert_element_type3A_28, %add3A_223 : f32
    %add3A_225 = vector.broadcast %add3A_224 : f32 to vector<8x2048xf32>
    %add3A_226 = arith.addf %convert_element_type3A_26, %add3A_225 : vector<8x2048xf32>
    %select_n3A_227 = arith.select %lt3A_221, %add3A_226, %select_n3A_217 : vector<8x2048xi1>, vector<8x2048xf32>
    %slice3A_228 = vector.extract_strided_slice %dot_general3A_19 {offsets = [160, 0], sizes = [8, 2048], strides = [1, 1]} : vector<512x2048xf32> to vector<8x2048xf32>
    %add3A_229 = vector.broadcast %get3A_18 : vector<1x2048xf32> to vector<8x2048xf32>
    %add3A_230 = arith.addf %add3A_229, %slice3A_228 : vector<8x2048xf32>
    %lt3A_231 = arith.cmpf olt, %add3A_230, %select_n3A_222 : vector<8x2048xf32>
    %select_n3A_232 = arith.select %lt3A_231, %add3A_230, %select_n3A_222 : vector<8x2048xi1>, vector<8x2048xf32>
    %add3A_233 = arith.constant 1.600000e+02 : f32
    %add3A_234 = arith.addf %convert_element_type3A_28, %add3A_233 : f32
    %add3A_235 = vector.broadcast %add3A_234 : f32 to vector<8x2048xf32>
    %add3A_236 = arith.addf %convert_element_type3A_26, %add3A_235 : vector<8x2048xf32>
    %select_n3A_237 = arith.select %lt3A_231, %add3A_236, %select_n3A_227 : vector<8x2048xi1>, vector<8x2048xf32>
    %slice3A_238 = vector.extract_strided_slice %dot_general3A_19 {offsets = [168, 0], sizes = [8, 2048], strides = [1, 1]} : vector<512x2048xf32> to vector<8x2048xf32>
    %add3A_239 = vector.broadcast %get3A_18 : vector<1x2048xf32> to vector<8x2048xf32>
    %add3A_240 = arith.addf %add3A_239, %slice3A_238 : vector<8x2048xf32>
    %lt3A_241 = arith.cmpf olt, %add3A_240, %select_n3A_232 : vector<8x2048xf32>
    %select_n3A_242 = arith.select %lt3A_241, %add3A_240, %select_n3A_232 : vector<8x2048xi1>, vector<8x2048xf32>
    %add3A_243 = arith.constant 1.680000e+02 : f32
    %add3A_244 = arith.addf %convert_element_type3A_28, %add3A_243 : f32
    %add3A_245 = vector.broadcast %add3A_244 : f32 to vector<8x2048xf32>
    %add3A_246 = arith.addf %convert_element_type3A_26, %add3A_245 : vector<8x2048xf32>
    %select_n3A_247 = arith.select %lt3A_241, %add3A_246, %select_n3A_237 : vector<8x2048xi1>, vector<8x2048xf32>
    %slice3A_248 = vector.extract_strided_slice %dot_general3A_19 {offsets = [176, 0], sizes = [8, 2048], strides = [1, 1]} : vector<512x2048xf32> to vector<8x2048xf32>
    %add3A_249 = vector.broadcast %get3A_18 : vector<1x2048xf32> to vector<8x2048xf32>
    %add3A_250 = arith.addf %add3A_249, %slice3A_248 : vector<8x2048xf32>
    %lt3A_251 = arith.cmpf olt, %add3A_250, %select_n3A_242 : vector<8x2048xf32>
    %select_n3A_252 = arith.select %lt3A_251, %add3A_250, %select_n3A_242 : vector<8x2048xi1>, vector<8x2048xf32>
    %add3A_253 = arith.constant 1.760000e+02 : f32
    %add3A_254 = arith.addf %convert_element_type3A_28, %add3A_253 : f32
    %add3A_255 = vector.broadcast %add3A_254 : f32 to vector<8x2048xf32>
    %add3A_256 = arith.addf %convert_element_type3A_26, %add3A_255 : vector<8x2048xf32>
    %select_n3A_257 = arith.select %lt3A_251, %add3A_256, %select_n3A_247 : vector<8x2048xi1>, vector<8x2048xf32>
    %slice3A_258 = vector.extract_strided_slice %dot_general3A_19 {offsets = [184, 0], sizes = [8, 2048], strides = [1, 1]} : vector<512x2048xf32> to vector<8x2048xf32>
    %add3A_259 = vector.broadcast %get3A_18 : vector<1x2048xf32> to vector<8x2048xf32>
    %add3A_260 = arith.addf %add3A_259, %slice3A_258 : vector<8x2048xf32>
    %lt3A_261 = arith.cmpf olt, %add3A_260, %select_n3A_252 : vector<8x2048xf32>
    %select_n3A_262 = arith.select %lt3A_261, %add3A_260, %select_n3A_252 : vector<8x2048xi1>, vector<8x2048xf32>
    %add3A_263 = arith.constant 1.840000e+02 : f32
    %add3A_264 = arith.addf %convert_element_type3A_28, %add3A_263 : f32
    %add3A_265 = vector.broadcast %add3A_264 : f32 to vector<8x2048xf32>
    %add3A_266 = arith.addf %convert_element_type3A_26, %add3A_265 : vector<8x2048xf32>
    %select_n3A_267 = arith.select %lt3A_261, %add3A_266, %select_n3A_257 : vector<8x2048xi1>, vector<8x2048xf32>
    %slice3A_268 = vector.extract_strided_slice %dot_general3A_19 {offsets = [192, 0], sizes = [8, 2048], strides = [1, 1]} : vector<512x2048xf32> to vector<8x2048xf32>
    %add3A_269 = vector.broadcast %get3A_18 : vector<1x2048xf32> to vector<8x2048xf32>
    %add3A_270 = arith.addf %add3A_269, %slice3A_268 : vector<8x2048xf32>
    %lt3A_271 = arith.cmpf olt, %add3A_270, %select_n3A_262 : vector<8x2048xf32>
    %select_n3A_272 = arith.select %lt3A_271, %add3A_270, %select_n3A_262 : vector<8x2048xi1>, vector<8x2048xf32>
    %add3A_273 = arith.constant 1.920000e+02 : f32
    %add3A_274 = arith.addf %convert_element_type3A_28, %add3A_273 : f32
    %add3A_275 = vector.broadcast %add3A_274 : f32 to vector<8x2048xf32>
    %add3A_276 = arith.addf %convert_element_type3A_26, %add3A_275 : vector<8x2048xf32>
    %select_n3A_277 = arith.select %lt3A_271, %add3A_276, %select_n3A_267 : vector<8x2048xi1>, vector<8x2048xf32>
    %slice3A_278 = vector.extract_strided_slice %dot_general3A_19 {offsets = [200, 0], sizes = [8, 2048], strides = [1, 1]} : vector<512x2048xf32> to vector<8x2048xf32>
    %add3A_279 = vector.broadcast %get3A_18 : vector<1x2048xf32> to vector<8x2048xf32>
    %add3A_280 = arith.addf %add3A_279, %slice3A_278 : vector<8x2048xf32>
    %lt3A_281 = arith.cmpf olt, %add3A_280, %select_n3A_272 : vector<8x2048xf32>
    %select_n3A_282 = arith.select %lt3A_281, %add3A_280, %select_n3A_272 : vector<8x2048xi1>, vector<8x2048xf32>
    %add3A_283 = arith.constant 2.000000e+02 : f32
    %add3A_284 = arith.addf %convert_element_type3A_28, %add3A_283 : f32
    %add3A_285 = vector.broadcast %add3A_284 : f32 to vector<8x2048xf32>
    %add3A_286 = arith.addf %convert_element_type3A_26, %add3A_285 : vector<8x2048xf32>
    %select_n3A_287 = arith.select %lt3A_281, %add3A_286, %select_n3A_277 : vector<8x2048xi1>, vector<8x2048xf32>
    %slice3A_288 = vector.extract_strided_slice %dot_general3A_19 {offsets = [208, 0], sizes = [8, 2048], strides = [1, 1]} : vector<512x2048xf32> to vector<8x2048xf32>
    %add3A_289 = vector.broadcast %get3A_18 : vector<1x2048xf32> to vector<8x2048xf32>
    %add3A_290 = arith.addf %add3A_289, %slice3A_288 : vector<8x2048xf32>
    %lt3A_291 = arith.cmpf olt, %add3A_290, %select_n3A_282 : vector<8x2048xf32>
    %select_n3A_292 = arith.select %lt3A_291, %add3A_290, %select_n3A_282 : vector<8x2048xi1>, vector<8x2048xf32>
    %add3A_293 = arith.constant 2.080000e+02 : f32
    %add3A_294 = arith.addf %convert_element_type3A_28, %add3A_293 : f32
    %add3A_295 = vector.broadcast %add3A_294 : f32 to vector<8x2048xf32>
    %add3A_296 = arith.addf %convert_element_type3A_26, %add3A_295 : vector<8x2048xf32>
    %select_n3A_297 = arith.select %lt3A_291, %add3A_296, %select_n3A_287 : vector<8x2048xi1>, vector<8x2048xf32>
    %slice3A_298 = vector.extract_strided_slice %dot_general3A_19 {offsets = [216, 0], sizes = [8, 2048], strides = [1, 1]} : vector<512x2048xf32> to vector<8x2048xf32>
    %add3A_299 = vector.broadcast %get3A_18 : vector<1x2048xf32> to vector<8x2048xf32>
    %add3A_300 = arith.addf %add3A_299, %slice3A_298 : vector<8x2048xf32>
    %lt3A_301 = arith.cmpf olt, %add3A_300, %select_n3A_292 : vector<8x2048xf32>
    %select_n3A_302 = arith.select %lt3A_301, %add3A_300, %select_n3A_292 : vector<8x2048xi1>, vector<8x2048xf32>
    %add3A_303 = arith.constant 2.160000e+02 : f32
    %add3A_304 = arith.addf %convert_element_type3A_28, %add3A_303 : f32
    %add3A_305 = vector.broadcast %add3A_304 : f32 to vector<8x2048xf32>
    %add3A_306 = arith.addf %convert_element_type3A_26, %add3A_305 : vector<8x2048xf32>
    %select_n3A_307 = arith.select %lt3A_301, %add3A_306, %select_n3A_297 : vector<8x2048xi1>, vector<8x2048xf32>
    %slice3A_308 = vector.extract_strided_slice %dot_general3A_19 {offsets = [224, 0], sizes = [8, 2048], strides = [1, 1]} : vector<512x2048xf32> to vector<8x2048xf32>
    %add3A_309 = vector.broadcast %get3A_18 : vector<1x2048xf32> to vector<8x2048xf32>
    %add3A_310 = arith.addf %add3A_309, %slice3A_308 : vector<8x2048xf32>
    %lt3A_311 = arith.cmpf olt, %add3A_310, %select_n3A_302 : vector<8x2048xf32>
    %select_n3A_312 = arith.select %lt3A_311, %add3A_310, %select_n3A_302 : vector<8x2048xi1>, vector<8x2048xf32>
    %add3A_313 = arith.constant 2.240000e+02 : f32
    %add3A_314 = arith.addf %convert_element_type3A_28, %add3A_313 : f32
    %add3A_315 = vector.broadcast %add3A_314 : f32 to vector<8x2048xf32>
    %add3A_316 = arith.addf %convert_element_type3A_26, %add3A_315 : vector<8x2048xf32>
    %select_n3A_317 = arith.select %lt3A_311, %add3A_316, %select_n3A_307 : vector<8x2048xi1>, vector<8x2048xf32>
    %slice3A_318 = vector.extract_strided_slice %dot_general3A_19 {offsets = [232, 0], sizes = [8, 2048], strides = [1, 1]} : vector<512x2048xf32> to vector<8x2048xf32>
    %add3A_319 = vector.broadcast %get3A_18 : vector<1x2048xf32> to vector<8x2048xf32>
    %add3A_320 = arith.addf %add3A_319, %slice3A_318 : vector<8x2048xf32>
    %lt3A_321 = arith.cmpf olt, %add3A_320, %select_n3A_312 : vector<8x2048xf32>
    %select_n3A_322 = arith.select %lt3A_321, %add3A_320, %select_n3A_312 : vector<8x2048xi1>, vector<8x2048xf32>
    %add3A_323 = arith.constant 2.320000e+02 : f32
    %add3A_324 = arith.addf %convert_element_type3A_28, %add3A_323 : f32
    %add3A_325 = vector.broadcast %add3A_324 : f32 to vector<8x2048xf32>
    %add3A_326 = arith.addf %convert_element_type3A_26, %add3A_325 : vector<8x2048xf32>
    %select_n3A_327 = arith.select %lt3A_321, %add3A_326, %select_n3A_317 : vector<8x2048xi1>, vector<8x2048xf32>
    %slice3A_328 = vector.extract_strided_slice %dot_general3A_19 {offsets = [240, 0], sizes = [8, 2048], strides = [1, 1]} : vector<512x2048xf32> to vector<8x2048xf32>
    %add3A_329 = vector.broadcast %get3A_18 : vector<1x2048xf32> to vector<8x2048xf32>
    %add3A_330 = arith.addf %add3A_329, %slice3A_328 : vector<8x2048xf32>
    %lt3A_331 = arith.cmpf olt, %add3A_330, %select_n3A_322 : vector<8x2048xf32>
    %select_n3A_332 = arith.select %lt3A_331, %add3A_330, %select_n3A_322 : vector<8x2048xi1>, vector<8x2048xf32>
    %add3A_333 = arith.constant 2.400000e+02 : f32
    %add3A_334 = arith.addf %convert_element_type3A_28, %add3A_333 : f32
    %add3A_335 = vector.broadcast %add3A_334 : f32 to vector<8x2048xf32>
    %add3A_336 = arith.addf %convert_element_type3A_26, %add3A_335 : vector<8x2048xf32>
    %select_n3A_337 = arith.select %lt3A_331, %add3A_336, %select_n3A_327 : vector<8x2048xi1>, vector<8x2048xf32>
    %slice3A_338 = vector.extract_strided_slice %dot_general3A_19 {offsets = [248, 0], sizes = [8, 2048], strides = [1, 1]} : vector<512x2048xf32> to vector<8x2048xf32>
    %add3A_339 = vector.broadcast %get3A_18 : vector<1x2048xf32> to vector<8x2048xf32>
    %add3A_340 = arith.addf %add3A_339, %slice3A_338 : vector<8x2048xf32>
    %lt3A_341 = arith.cmpf olt, %add3A_340, %select_n3A_332 : vector<8x2048xf32>
    %select_n3A_342 = arith.select %lt3A_341, %add3A_340, %select_n3A_332 : vector<8x2048xi1>, vector<8x2048xf32>
    %add3A_343 = arith.constant 2.480000e+02 : f32
    %add3A_344 = arith.addf %convert_element_type3A_28, %add3A_343 : f32
    %add3A_345 = vector.broadcast %add3A_344 : f32 to vector<8x2048xf32>
    %add3A_346 = arith.addf %convert_element_type3A_26, %add3A_345 : vector<8x2048xf32>
    %select_n3A_347 = arith.select %lt3A_341, %add3A_346, %select_n3A_337 : vector<8x2048xi1>, vector<8x2048xf32>
    %slice3A_348 = vector.extract_strided_slice %dot_general3A_19 {offsets = [256, 0], sizes = [8, 2048], strides = [1, 1]} : vector<512x2048xf32> to vector<8x2048xf32>
    %add3A_349 = vector.broadcast %get3A_18 : vector<1x2048xf32> to vector<8x2048xf32>
    %add3A_350 = arith.addf %add3A_349, %slice3A_348 : vector<8x2048xf32>
    %lt3A_351 = arith.cmpf olt, %add3A_350, %select_n3A_342 : vector<8x2048xf32>
    %select_n3A_352 = arith.select %lt3A_351, %add3A_350, %select_n3A_342 : vector<8x2048xi1>, vector<8x2048xf32>
    %add3A_353 = arith.constant 2.560000e+02 : f32
    %add3A_354 = arith.addf %convert_element_type3A_28, %add3A_353 : f32
    %add3A_355 = vector.broadcast %add3A_354 : f32 to vector<8x2048xf32>
    %add3A_356 = arith.addf %convert_element_type3A_26, %add3A_355 : vector<8x2048xf32>
    %select_n3A_357 = arith.select %lt3A_351, %add3A_356, %select_n3A_347 : vector<8x2048xi1>, vector<8x2048xf32>
    %slice3A_358 = vector.extract_strided_slice %dot_general3A_19 {offsets = [264, 0], sizes = [8, 2048], strides = [1, 1]} : vector<512x2048xf32> to vector<8x2048xf32>
    %add3A_359 = vector.broadcast %get3A_18 : vector<1x2048xf32> to vector<8x2048xf32>
    %add3A_360 = arith.addf %add3A_359, %slice3A_358 : vector<8x2048xf32>
    %lt3A_361 = arith.cmpf olt, %add3A_360, %select_n3A_352 : vector<8x2048xf32>
    %select_n3A_362 = arith.select %lt3A_361, %add3A_360, %select_n3A_352 : vector<8x2048xi1>, vector<8x2048xf32>
    %add3A_363 = arith.constant 2.640000e+02 : f32
    %add3A_364 = arith.addf %convert_element_type3A_28, %add3A_363 : f32
    %add3A_365 = vector.broadcast %add3A_364 : f32 to vector<8x2048xf32>
    %add3A_366 = arith.addf %convert_element_type3A_26, %add3A_365 : vector<8x2048xf32>
    %select_n3A_367 = arith.select %lt3A_361, %add3A_366, %select_n3A_357 : vector<8x2048xi1>, vector<8x2048xf32>
    %slice3A_368 = vector.extract_strided_slice %dot_general3A_19 {offsets = [272, 0], sizes = [8, 2048], strides = [1, 1]} : vector<512x2048xf32> to vector<8x2048xf32>
    %add3A_369 = vector.broadcast %get3A_18 : vector<1x2048xf32> to vector<8x2048xf32>
    %add3A_370 = arith.addf %add3A_369, %slice3A_368 : vector<8x2048xf32>
    %lt3A_371 = arith.cmpf olt, %add3A_370, %select_n3A_362 : vector<8x2048xf32>
    %select_n3A_372 = arith.select %lt3A_371, %add3A_370, %select_n3A_362 : vector<8x2048xi1>, vector<8x2048xf32>
    %add3A_373 = arith.constant 2.720000e+02 : f32
    %add3A_374 = arith.addf %convert_element_type3A_28, %add3A_373 : f32
    %add3A_375 = vector.broadcast %add3A_374 : f32 to vector<8x2048xf32>
    %add3A_376 = arith.addf %convert_element_type3A_26, %add3A_375 : vector<8x2048xf32>
    %select_n3A_377 = arith.select %lt3A_371, %add3A_376, %select_n3A_367 : vector<8x2048xi1>, vector<8x2048xf32>
    %slice3A_378 = vector.extract_strided_slice %dot_general3A_19 {offsets = [280, 0], sizes = [8, 2048], strides = [1, 1]} : vector<512x2048xf32> to vector<8x2048xf32>
    %add3A_379 = vector.broadcast %get3A_18 : vector<1x2048xf32> to vector<8x2048xf32>
    %add3A_380 = arith.addf %add3A_379, %slice3A_378 : vector<8x2048xf32>
    %lt3A_381 = arith.cmpf olt, %add3A_380, %select_n3A_372 : vector<8x2048xf32>
    %select_n3A_382 = arith.select %lt3A_381, %add3A_380, %select_n3A_372 : vector<8x2048xi1>, vector<8x2048xf32>
    %add3A_383 = arith.constant 2.800000e+02 : f32
    %add3A_384 = arith.addf %convert_element_type3A_28, %add3A_383 : f32
    %add3A_385 = vector.broadcast %add3A_384 : f32 to vector<8x2048xf32>
    %add3A_386 = arith.addf %convert_element_type3A_26, %add3A_385 : vector<8x2048xf32>
    %select_n3A_387 = arith.select %lt3A_381, %add3A_386, %select_n3A_377 : vector<8x2048xi1>, vector<8x2048xf32>
    %slice3A_388 = vector.extract_strided_slice %dot_general3A_19 {offsets = [288, 0], sizes = [8, 2048], strides = [1, 1]} : vector<512x2048xf32> to vector<8x2048xf32>
    %add3A_389 = vector.broadcast %get3A_18 : vector<1x2048xf32> to vector<8x2048xf32>
    %add3A_390 = arith.addf %add3A_389, %slice3A_388 : vector<8x2048xf32>
    %lt3A_391 = arith.cmpf olt, %add3A_390, %select_n3A_382 : vector<8x2048xf32>
    %select_n3A_392 = arith.select %lt3A_391, %add3A_390, %select_n3A_382 : vector<8x2048xi1>, vector<8x2048xf32>
    %add3A_393 = arith.constant 2.880000e+02 : f32
    %add3A_394 = arith.addf %convert_element_type3A_28, %add3A_393 : f32
    %add3A_395 = vector.broadcast %add3A_394 : f32 to vector<8x2048xf32>
    %add3A_396 = arith.addf %convert_element_type3A_26, %add3A_395 : vector<8x2048xf32>
    %select_n3A_397 = arith.select %lt3A_391, %add3A_396, %select_n3A_387 : vector<8x2048xi1>, vector<8x2048xf32>
    %slice3A_398 = vector.extract_strided_slice %dot_general3A_19 {offsets = [296, 0], sizes = [8, 2048], strides = [1, 1]} : vector<512x2048xf32> to vector<8x2048xf32>
    %add3A_399 = vector.broadcast %get3A_18 : vector<1x2048xf32> to vector<8x2048xf32>
    %add3A_400 = arith.addf %add3A_399, %slice3A_398 : vector<8x2048xf32>
    %lt3A_401 = arith.cmpf olt, %add3A_400, %select_n3A_392 : vector<8x2048xf32>
    %select_n3A_402 = arith.select %lt3A_401, %add3A_400, %select_n3A_392 : vector<8x2048xi1>, vector<8x2048xf32>
    %add3A_403 = arith.constant 2.960000e+02 : f32
    %add3A_404 = arith.addf %convert_element_type3A_28, %add3A_403 : f32
    %add3A_405 = vector.broadcast %add3A_404 : f32 to vector<8x2048xf32>
    %add3A_406 = arith.addf %convert_element_type3A_26, %add3A_405 : vector<8x2048xf32>
    %select_n3A_407 = arith.select %lt3A_401, %add3A_406, %select_n3A_397 : vector<8x2048xi1>, vector<8x2048xf32>
    %slice3A_408 = vector.extract_strided_slice %dot_general3A_19 {offsets = [304, 0], sizes = [8, 2048], strides = [1, 1]} : vector<512x2048xf32> to vector<8x2048xf32>
    %add3A_409 = vector.broadcast %get3A_18 : vector<1x2048xf32> to vector<8x2048xf32>
    %add3A_410 = arith.addf %add3A_409, %slice3A_408 : vector<8x2048xf32>
    %lt3A_411 = arith.cmpf olt, %add3A_410, %select_n3A_402 : vector<8x2048xf32>
    %select_n3A_412 = arith.select %lt3A_411, %add3A_410, %select_n3A_402 : vector<8x2048xi1>, vector<8x2048xf32>
    %add3A_413 = arith.constant 3.040000e+02 : f32
    %add3A_414 = arith.addf %convert_element_type3A_28, %add3A_413 : f32
    %add3A_415 = vector.broadcast %add3A_414 : f32 to vector<8x2048xf32>
    %add3A_416 = arith.addf %convert_element_type3A_26, %add3A_415 : vector<8x2048xf32>
    %select_n3A_417 = arith.select %lt3A_411, %add3A_416, %select_n3A_407 : vector<8x2048xi1>, vector<8x2048xf32>
    %slice3A_418 = vector.extract_strided_slice %dot_general3A_19 {offsets = [312, 0], sizes = [8, 2048], strides = [1, 1]} : vector<512x2048xf32> to vector<8x2048xf32>
    %add3A_419 = vector.broadcast %get3A_18 : vector<1x2048xf32> to vector<8x2048xf32>
    %add3A_420 = arith.addf %add3A_419, %slice3A_418 : vector<8x2048xf32>
    %lt3A_421 = arith.cmpf olt, %add3A_420, %select_n3A_412 : vector<8x2048xf32>
    %select_n3A_422 = arith.select %lt3A_421, %add3A_420, %select_n3A_412 : vector<8x2048xi1>, vector<8x2048xf32>
    %add3A_423 = arith.constant 3.120000e+02 : f32
    %add3A_424 = arith.addf %convert_element_type3A_28, %add3A_423 : f32
    %add3A_425 = vector.broadcast %add3A_424 : f32 to vector<8x2048xf32>
    %add3A_426 = arith.addf %convert_element_type3A_26, %add3A_425 : vector<8x2048xf32>
    %select_n3A_427 = arith.select %lt3A_421, %add3A_426, %select_n3A_417 : vector<8x2048xi1>, vector<8x2048xf32>
    %slice3A_428 = vector.extract_strided_slice %dot_general3A_19 {offsets = [320, 0], sizes = [8, 2048], strides = [1, 1]} : vector<512x2048xf32> to vector<8x2048xf32>
    %add3A_429 = vector.broadcast %get3A_18 : vector<1x2048xf32> to vector<8x2048xf32>
    %add3A_430 = arith.addf %add3A_429, %slice3A_428 : vector<8x2048xf32>
    %lt3A_431 = arith.cmpf olt, %add3A_430, %select_n3A_422 : vector<8x2048xf32>
    %select_n3A_432 = arith.select %lt3A_431, %add3A_430, %select_n3A_422 : vector<8x2048xi1>, vector<8x2048xf32>
    %add3A_433 = arith.constant 3.200000e+02 : f32
    %add3A_434 = arith.addf %convert_element_type3A_28, %add3A_433 : f32
    %add3A_435 = vector.broadcast %add3A_434 : f32 to vector<8x2048xf32>
    %add3A_436 = arith.addf %convert_element_type3A_26, %add3A_435 : vector<8x2048xf32>
    %select_n3A_437 = arith.select %lt3A_431, %add3A_436, %select_n3A_427 : vector<8x2048xi1>, vector<8x2048xf32>
    %slice3A_438 = vector.extract_strided_slice %dot_general3A_19 {offsets = [328, 0], sizes = [8, 2048], strides = [1, 1]} : vector<512x2048xf32> to vector<8x2048xf32>
    %add3A_439 = vector.broadcast %get3A_18 : vector<1x2048xf32> to vector<8x2048xf32>
    %add3A_440 = arith.addf %add3A_439, %slice3A_438 : vector<8x2048xf32>
    %lt3A_441 = arith.cmpf olt, %add3A_440, %select_n3A_432 : vector<8x2048xf32>
    %select_n3A_442 = arith.select %lt3A_441, %add3A_440, %select_n3A_432 : vector<8x2048xi1>, vector<8x2048xf32>
    %add3A_443 = arith.constant 3.280000e+02 : f32
    %add3A_444 = arith.addf %convert_element_type3A_28, %add3A_443 : f32
    %add3A_445 = vector.broadcast %add3A_444 : f32 to vector<8x2048xf32>
    %add3A_446 = arith.addf %convert_element_type3A_26, %add3A_445 : vector<8x2048xf32>
    %select_n3A_447 = arith.select %lt3A_441, %add3A_446, %select_n3A_437 : vector<8x2048xi1>, vector<8x2048xf32>
    %slice3A_448 = vector.extract_strided_slice %dot_general3A_19 {offsets = [336, 0], sizes = [8, 2048], strides = [1, 1]} : vector<512x2048xf32> to vector<8x2048xf32>
    %add3A_449 = vector.broadcast %get3A_18 : vector<1x2048xf32> to vector<8x2048xf32>
    %add3A_450 = arith.addf %add3A_449, %slice3A_448 : vector<8x2048xf32>
    %lt3A_451 = arith.cmpf olt, %add3A_450, %select_n3A_442 : vector<8x2048xf32>
    %select_n3A_452 = arith.select %lt3A_451, %add3A_450, %select_n3A_442 : vector<8x2048xi1>, vector<8x2048xf32>
    %add3A_453 = arith.constant 3.360000e+02 : f32
    %add3A_454 = arith.addf %convert_element_type3A_28, %add3A_453 : f32
    %add3A_455 = vector.broadcast %add3A_454 : f32 to vector<8x2048xf32>
    %add3A_456 = arith.addf %convert_element_type3A_26, %add3A_455 : vector<8x2048xf32>
    %select_n3A_457 = arith.select %lt3A_451, %add3A_456, %select_n3A_447 : vector<8x2048xi1>, vector<8x2048xf32>
    %slice3A_458 = vector.extract_strided_slice %dot_general3A_19 {offsets = [344, 0], sizes = [8, 2048], strides = [1, 1]} : vector<512x2048xf32> to vector<8x2048xf32>
    %add3A_459 = vector.broadcast %get3A_18 : vector<1x2048xf32> to vector<8x2048xf32>
    %add3A_460 = arith.addf %add3A_459, %slice3A_458 : vector<8x2048xf32>
    %lt3A_461 = arith.cmpf olt, %add3A_460, %select_n3A_452 : vector<8x2048xf32>
    %select_n3A_462 = arith.select %lt3A_461, %add3A_460, %select_n3A_452 : vector<8x2048xi1>, vector<8x2048xf32>
    %add3A_463 = arith.constant 3.440000e+02 : f32
    %add3A_464 = arith.addf %convert_element_type3A_28, %add3A_463 : f32
    %add3A_465 = vector.broadcast %add3A_464 : f32 to vector<8x2048xf32>
    %add3A_466 = arith.addf %convert_element_type3A_26, %add3A_465 : vector<8x2048xf32>
    %select_n3A_467 = arith.select %lt3A_461, %add3A_466, %select_n3A_457 : vector<8x2048xi1>, vector<8x2048xf32>
    %slice3A_468 = vector.extract_strided_slice %dot_general3A_19 {offsets = [352, 0], sizes = [8, 2048], strides = [1, 1]} : vector<512x2048xf32> to vector<8x2048xf32>
    %add3A_469 = vector.broadcast %get3A_18 : vector<1x2048xf32> to vector<8x2048xf32>
    %add3A_470 = arith.addf %add3A_469, %slice3A_468 : vector<8x2048xf32>
    %lt3A_471 = arith.cmpf olt, %add3A_470, %select_n3A_462 : vector<8x2048xf32>
    %select_n3A_472 = arith.select %lt3A_471, %add3A_470, %select_n3A_462 : vector<8x2048xi1>, vector<8x2048xf32>
    %add3A_473 = arith.constant 3.520000e+02 : f32
    %add3A_474 = arith.addf %convert_element_type3A_28, %add3A_473 : f32
    %add3A_475 = vector.broadcast %add3A_474 : f32 to vector<8x2048xf32>
    %add3A_476 = arith.addf %convert_element_type3A_26, %add3A_475 : vector<8x2048xf32>
    %select_n3A_477 = arith.select %lt3A_471, %add3A_476, %select_n3A_467 : vector<8x2048xi1>, vector<8x2048xf32>
    %slice3A_478 = vector.extract_strided_slice %dot_general3A_19 {offsets = [360, 0], sizes = [8, 2048], strides = [1, 1]} : vector<512x2048xf32> to vector<8x2048xf32>
    %add3A_479 = vector.broadcast %get3A_18 : vector<1x2048xf32> to vector<8x2048xf32>
    %add3A_480 = arith.addf %add3A_479, %slice3A_478 : vector<8x2048xf32>
    %lt3A_481 = arith.cmpf olt, %add3A_480, %select_n3A_472 : vector<8x2048xf32>
    %select_n3A_482 = arith.select %lt3A_481, %add3A_480, %select_n3A_472 : vector<8x2048xi1>, vector<8x2048xf32>
    %add3A_483 = arith.constant 3.600000e+02 : f32
    %add3A_484 = arith.addf %convert_element_type3A_28, %add3A_483 : f32
    %add3A_485 = vector.broadcast %add3A_484 : f32 to vector<8x2048xf32>
    %add3A_486 = arith.addf %convert_element_type3A_26, %add3A_485 : vector<8x2048xf32>
    %select_n3A_487 = arith.select %lt3A_481, %add3A_486, %select_n3A_477 : vector<8x2048xi1>, vector<8x2048xf32>
    %slice3A_488 = vector.extract_strided_slice %dot_general3A_19 {offsets = [368, 0], sizes = [8, 2048], strides = [1, 1]} : vector<512x2048xf32> to vector<8x2048xf32>
    %add3A_489 = vector.broadcast %get3A_18 : vector<1x2048xf32> to vector<8x2048xf32>
    %add3A_490 = arith.addf %add3A_489, %slice3A_488 : vector<8x2048xf32>
    %lt3A_491 = arith.cmpf olt, %add3A_490, %select_n3A_482 : vector<8x2048xf32>
    %select_n3A_492 = arith.select %lt3A_491, %add3A_490, %select_n3A_482 : vector<8x2048xi1>, vector<8x2048xf32>
    %add3A_493 = arith.constant 3.680000e+02 : f32
    %add3A_494 = arith.addf %convert_element_type3A_28, %add3A_493 : f32
    %add3A_495 = vector.broadcast %add3A_494 : f32 to vector<8x2048xf32>
    %add3A_496 = arith.addf %convert_element_type3A_26, %add3A_495 : vector<8x2048xf32>
    %select_n3A_497 = arith.select %lt3A_491, %add3A_496, %select_n3A_487 : vector<8x2048xi1>, vector<8x2048xf32>
    %slice3A_498 = vector.extract_strided_slice %dot_general3A_19 {offsets = [376, 0], sizes = [8, 2048], strides = [1, 1]} : vector<512x2048xf32> to vector<8x2048xf32>
    %add3A_499 = vector.broadcast %get3A_18 : vector<1x2048xf32> to vector<8x2048xf32>
    %add3A_500 = arith.addf %add3A_499, %slice3A_498 : vector<8x2048xf32>
    %lt3A_501 = arith.cmpf olt, %add3A_500, %select_n3A_492 : vector<8x2048xf32>
    %select_n3A_502 = arith.select %lt3A_501, %add3A_500, %select_n3A_492 : vector<8x2048xi1>, vector<8x2048xf32>
    %add3A_503 = arith.constant 3.760000e+02 : f32
    %add3A_504 = arith.addf %convert_element_type3A_28, %add3A_503 : f32
    %add3A_505 = vector.broadcast %add3A_504 : f32 to vector<8x2048xf32>
    %add3A_506 = arith.addf %convert_element_type3A_26, %add3A_505 : vector<8x2048xf32>
    %select_n3A_507 = arith.select %lt3A_501, %add3A_506, %select_n3A_497 : vector<8x2048xi1>, vector<8x2048xf32>
    %slice3A_508 = vector.extract_strided_slice %dot_general3A_19 {offsets = [384, 0], sizes = [8, 2048], strides = [1, 1]} : vector<512x2048xf32> to vector<8x2048xf32>
    %add3A_509 = vector.broadcast %get3A_18 : vector<1x2048xf32> to vector<8x2048xf32>
    %add3A_510 = arith.addf %add3A_509, %slice3A_508 : vector<8x2048xf32>
    %lt3A_511 = arith.cmpf olt, %add3A_510, %select_n3A_502 : vector<8x2048xf32>
    %select_n3A_512 = arith.select %lt3A_511, %add3A_510, %select_n3A_502 : vector<8x2048xi1>, vector<8x2048xf32>
    %add3A_513 = arith.constant 3.840000e+02 : f32
    %add3A_514 = arith.addf %convert_element_type3A_28, %add3A_513 : f32
    %add3A_515 = vector.broadcast %add3A_514 : f32 to vector<8x2048xf32>
    %add3A_516 = arith.addf %convert_element_type3A_26, %add3A_515 : vector<8x2048xf32>
    %select_n3A_517 = arith.select %lt3A_511, %add3A_516, %select_n3A_507 : vector<8x2048xi1>, vector<8x2048xf32>
    %slice3A_518 = vector.extract_strided_slice %dot_general3A_19 {offsets = [392, 0], sizes = [8, 2048], strides = [1, 1]} : vector<512x2048xf32> to vector<8x2048xf32>
    %add3A_519 = vector.broadcast %get3A_18 : vector<1x2048xf32> to vector<8x2048xf32>
    %add3A_520 = arith.addf %add3A_519, %slice3A_518 : vector<8x2048xf32>
    %lt3A_521 = arith.cmpf olt, %add3A_520, %select_n3A_512 : vector<8x2048xf32>
    %select_n3A_522 = arith.select %lt3A_521, %add3A_520, %select_n3A_512 : vector<8x2048xi1>, vector<8x2048xf32>
    %add3A_523 = arith.constant 3.920000e+02 : f32
    %add3A_524 = arith.addf %convert_element_type3A_28, %add3A_523 : f32
    %add3A_525 = vector.broadcast %add3A_524 : f32 to vector<8x2048xf32>
    %add3A_526 = arith.addf %convert_element_type3A_26, %add3A_525 : vector<8x2048xf32>
    %select_n3A_527 = arith.select %lt3A_521, %add3A_526, %select_n3A_517 : vector<8x2048xi1>, vector<8x2048xf32>
    %slice3A_528 = vector.extract_strided_slice %dot_general3A_19 {offsets = [400, 0], sizes = [8, 2048], strides = [1, 1]} : vector<512x2048xf32> to vector<8x2048xf32>
    %add3A_529 = vector.broadcast %get3A_18 : vector<1x2048xf32> to vector<8x2048xf32>
    %add3A_530 = arith.addf %add3A_529, %slice3A_528 : vector<8x2048xf32>
    %lt3A_531 = arith.cmpf olt, %add3A_530, %select_n3A_522 : vector<8x2048xf32>
    %select_n3A_532 = arith.select %lt3A_531, %add3A_530, %select_n3A_522 : vector<8x2048xi1>, vector<8x2048xf32>
    %add3A_533 = arith.constant 4.000000e+02 : f32
    %add3A_534 = arith.addf %convert_element_type3A_28, %add3A_533 : f32
    %add3A_535 = vector.broadcast %add3A_534 : f32 to vector<8x2048xf32>
    %add3A_536 = arith.addf %convert_element_type3A_26, %add3A_535 : vector<8x2048xf32>
    %select_n3A_537 = arith.select %lt3A_531, %add3A_536, %select_n3A_527 : vector<8x2048xi1>, vector<8x2048xf32>
    %slice3A_538 = vector.extract_strided_slice %dot_general3A_19 {offsets = [408, 0], sizes = [8, 2048], strides = [1, 1]} : vector<512x2048xf32> to vector<8x2048xf32>
    %add3A_539 = vector.broadcast %get3A_18 : vector<1x2048xf32> to vector<8x2048xf32>
    %add3A_540 = arith.addf %add3A_539, %slice3A_538 : vector<8x2048xf32>
    %lt3A_541 = arith.cmpf olt, %add3A_540, %select_n3A_532 : vector<8x2048xf32>
    %select_n3A_542 = arith.select %lt3A_541, %add3A_540, %select_n3A_532 : vector<8x2048xi1>, vector<8x2048xf32>
    %add3A_543 = arith.constant 4.080000e+02 : f32
    %add3A_544 = arith.addf %convert_element_type3A_28, %add3A_543 : f32
    %add3A_545 = vector.broadcast %add3A_544 : f32 to vector<8x2048xf32>
    %add3A_546 = arith.addf %convert_element_type3A_26, %add3A_545 : vector<8x2048xf32>
    %select_n3A_547 = arith.select %lt3A_541, %add3A_546, %select_n3A_537 : vector<8x2048xi1>, vector<8x2048xf32>
    %slice3A_548 = vector.extract_strided_slice %dot_general3A_19 {offsets = [416, 0], sizes = [8, 2048], strides = [1, 1]} : vector<512x2048xf32> to vector<8x2048xf32>
    %add3A_549 = vector.broadcast %get3A_18 : vector<1x2048xf32> to vector<8x2048xf32>
    %add3A_550 = arith.addf %add3A_549, %slice3A_548 : vector<8x2048xf32>
    %lt3A_551 = arith.cmpf olt, %add3A_550, %select_n3A_542 : vector<8x2048xf32>
    %select_n3A_552 = arith.select %lt3A_551, %add3A_550, %select_n3A_542 : vector<8x2048xi1>, vector<8x2048xf32>
    %add3A_553 = arith.constant 4.160000e+02 : f32
    %add3A_554 = arith.addf %convert_element_type3A_28, %add3A_553 : f32
    %add3A_555 = vector.broadcast %add3A_554 : f32 to vector<8x2048xf32>
    %add3A_556 = arith.addf %convert_element_type3A_26, %add3A_555 : vector<8x2048xf32>
    %select_n3A_557 = arith.select %lt3A_551, %add3A_556, %select_n3A_547 : vector<8x2048xi1>, vector<8x2048xf32>
    %slice3A_558 = vector.extract_strided_slice %dot_general3A_19 {offsets = [424, 0], sizes = [8, 2048], strides = [1, 1]} : vector<512x2048xf32> to vector<8x2048xf32>
    %add3A_559 = vector.broadcast %get3A_18 : vector<1x2048xf32> to vector<8x2048xf32>
    %add3A_560 = arith.addf %add3A_559, %slice3A_558 : vector<8x2048xf32>
    %lt3A_561 = arith.cmpf olt, %add3A_560, %select_n3A_552 : vector<8x2048xf32>
    %select_n3A_562 = arith.select %lt3A_561, %add3A_560, %select_n3A_552 : vector<8x2048xi1>, vector<8x2048xf32>
    %add3A_563 = arith.constant 4.240000e+02 : f32
    %add3A_564 = arith.addf %convert_element_type3A_28, %add3A_563 : f32
    %add3A_565 = vector.broadcast %add3A_564 : f32 to vector<8x2048xf32>
    %add3A_566 = arith.addf %convert_element_type3A_26, %add3A_565 : vector<8x2048xf32>
    %select_n3A_567 = arith.select %lt3A_561, %add3A_566, %select_n3A_557 : vector<8x2048xi1>, vector<8x2048xf32>
    %slice3A_568 = vector.extract_strided_slice %dot_general3A_19 {offsets = [432, 0], sizes = [8, 2048], strides = [1, 1]} : vector<512x2048xf32> to vector<8x2048xf32>
    %add3A_569 = vector.broadcast %get3A_18 : vector<1x2048xf32> to vector<8x2048xf32>
    %add3A_570 = arith.addf %add3A_569, %slice3A_568 : vector<8x2048xf32>
    %lt3A_571 = arith.cmpf olt, %add3A_570, %select_n3A_562 : vector<8x2048xf32>
    %select_n3A_572 = arith.select %lt3A_571, %add3A_570, %select_n3A_562 : vector<8x2048xi1>, vector<8x2048xf32>
    %add3A_573 = arith.constant 4.320000e+02 : f32
    %add3A_574 = arith.addf %convert_element_type3A_28, %add3A_573 : f32
    %add3A_575 = vector.broadcast %add3A_574 : f32 to vector<8x2048xf32>
    %add3A_576 = arith.addf %convert_element_type3A_26, %add3A_575 : vector<8x2048xf32>
    %select_n3A_577 = arith.select %lt3A_571, %add3A_576, %select_n3A_567 : vector<8x2048xi1>, vector<8x2048xf32>
    %slice3A_578 = vector.extract_strided_slice %dot_general3A_19 {offsets = [440, 0], sizes = [8, 2048], strides = [1, 1]} : vector<512x2048xf32> to vector<8x2048xf32>
    %add3A_579 = vector.broadcast %get3A_18 : vector<1x2048xf32> to vector<8x2048xf32>
    %add3A_580 = arith.addf %add3A_579, %slice3A_578 : vector<8x2048xf32>
    %lt3A_581 = arith.cmpf olt, %add3A_580, %select_n3A_572 : vector<8x2048xf32>
    %select_n3A_582 = arith.select %lt3A_581, %add3A_580, %select_n3A_572 : vector<8x2048xi1>, vector<8x2048xf32>
    %add3A_583 = arith.constant 4.400000e+02 : f32
    %add3A_584 = arith.addf %convert_element_type3A_28, %add3A_583 : f32
    %add3A_585 = vector.broadcast %add3A_584 : f32 to vector<8x2048xf32>
    %add3A_586 = arith.addf %convert_element_type3A_26, %add3A_585 : vector<8x2048xf32>
    %select_n3A_587 = arith.select %lt3A_581, %add3A_586, %select_n3A_577 : vector<8x2048xi1>, vector<8x2048xf32>
    %slice3A_588 = vector.extract_strided_slice %dot_general3A_19 {offsets = [448, 0], sizes = [8, 2048], strides = [1, 1]} : vector<512x2048xf32> to vector<8x2048xf32>
    %add3A_589 = vector.broadcast %get3A_18 : vector<1x2048xf32> to vector<8x2048xf32>
    %add3A_590 = arith.addf %add3A_589, %slice3A_588 : vector<8x2048xf32>
    %lt3A_591 = arith.cmpf olt, %add3A_590, %select_n3A_582 : vector<8x2048xf32>
    %select_n3A_592 = arith.select %lt3A_591, %add3A_590, %select_n3A_582 : vector<8x2048xi1>, vector<8x2048xf32>
    %add3A_593 = arith.constant 4.480000e+02 : f32
    %add3A_594 = arith.addf %convert_element_type3A_28, %add3A_593 : f32
    %add3A_595 = vector.broadcast %add3A_594 : f32 to vector<8x2048xf32>
    %add3A_596 = arith.addf %convert_element_type3A_26, %add3A_595 : vector<8x2048xf32>
    %select_n3A_597 = arith.select %lt3A_591, %add3A_596, %select_n3A_587 : vector<8x2048xi1>, vector<8x2048xf32>
    %slice3A_598 = vector.extract_strided_slice %dot_general3A_19 {offsets = [456, 0], sizes = [8, 2048], strides = [1, 1]} : vector<512x2048xf32> to vector<8x2048xf32>
    %add3A_599 = vector.broadcast %get3A_18 : vector<1x2048xf32> to vector<8x2048xf32>
    %add3A_600 = arith.addf %add3A_599, %slice3A_598 : vector<8x2048xf32>
    %lt3A_601 = arith.cmpf olt, %add3A_600, %select_n3A_592 : vector<8x2048xf32>
    %select_n3A_602 = arith.select %lt3A_601, %add3A_600, %select_n3A_592 : vector<8x2048xi1>, vector<8x2048xf32>
    %add3A_603 = arith.constant 4.560000e+02 : f32
    %add3A_604 = arith.addf %convert_element_type3A_28, %add3A_603 : f32
    %add3A_605 = vector.broadcast %add3A_604 : f32 to vector<8x2048xf32>
    %add3A_606 = arith.addf %convert_element_type3A_26, %add3A_605 : vector<8x2048xf32>
    %select_n3A_607 = arith.select %lt3A_601, %add3A_606, %select_n3A_597 : vector<8x2048xi1>, vector<8x2048xf32>
    %slice3A_608 = vector.extract_strided_slice %dot_general3A_19 {offsets = [464, 0], sizes = [8, 2048], strides = [1, 1]} : vector<512x2048xf32> to vector<8x2048xf32>
    %add3A_609 = vector.broadcast %get3A_18 : vector<1x2048xf32> to vector<8x2048xf32>
    %add3A_610 = arith.addf %add3A_609, %slice3A_608 : vector<8x2048xf32>
    %lt3A_611 = arith.cmpf olt, %add3A_610, %select_n3A_602 : vector<8x2048xf32>
    %select_n3A_612 = arith.select %lt3A_611, %add3A_610, %select_n3A_602 : vector<8x2048xi1>, vector<8x2048xf32>
    %add3A_613 = arith.constant 4.640000e+02 : f32
    %add3A_614 = arith.addf %convert_element_type3A_28, %add3A_613 : f32
    %add3A_615 = vector.broadcast %add3A_614 : f32 to vector<8x2048xf32>
    %add3A_616 = arith.addf %convert_element_type3A_26, %add3A_615 : vector<8x2048xf32>
    %select_n3A_617 = arith.select %lt3A_611, %add3A_616, %select_n3A_607 : vector<8x2048xi1>, vector<8x2048xf32>
    %slice3A_618 = vector.extract_strided_slice %dot_general3A_19 {offsets = [472, 0], sizes = [8, 2048], strides = [1, 1]} : vector<512x2048xf32> to vector<8x2048xf32>
    %add3A_619 = vector.broadcast %get3A_18 : vector<1x2048xf32> to vector<8x2048xf32>
    %add3A_620 = arith.addf %add3A_619, %slice3A_618 : vector<8x2048xf32>
    %lt3A_621 = arith.cmpf olt, %add3A_620, %select_n3A_612 : vector<8x2048xf32>
    %select_n3A_622 = arith.select %lt3A_621, %add3A_620, %select_n3A_612 : vector<8x2048xi1>, vector<8x2048xf32>
    %add3A_623 = arith.constant 4.720000e+02 : f32
    %add3A_624 = arith.addf %convert_element_type3A_28, %add3A_623 : f32
    %add3A_625 = vector.broadcast %add3A_624 : f32 to vector<8x2048xf32>
    %add3A_626 = arith.addf %convert_element_type3A_26, %add3A_625 : vector<8x2048xf32>
    %select_n3A_627 = arith.select %lt3A_621, %add3A_626, %select_n3A_617 : vector<8x2048xi1>, vector<8x2048xf32>
    %slice3A_628 = vector.extract_strided_slice %dot_general3A_19 {offsets = [480, 0], sizes = [8, 2048], strides = [1, 1]} : vector<512x2048xf32> to vector<8x2048xf32>
    %add3A_629 = vector.broadcast %get3A_18 : vector<1x2048xf32> to vector<8x2048xf32>
    %add3A_630 = arith.addf %add3A_629, %slice3A_628 : vector<8x2048xf32>
    %lt3A_631 = arith.cmpf olt, %add3A_630, %select_n3A_622 : vector<8x2048xf32>
    %select_n3A_632 = arith.select %lt3A_631, %add3A_630, %select_n3A_622 : vector<8x2048xi1>, vector<8x2048xf32>
    %add3A_633 = arith.constant 4.800000e+02 : f32
    %add3A_634 = arith.addf %convert_element_type3A_28, %add3A_633 : f32
    %add3A_635 = vector.broadcast %add3A_634 : f32 to vector<8x2048xf32>
    %add3A_636 = arith.addf %convert_element_type3A_26, %add3A_635 : vector<8x2048xf32>
    %select_n3A_637 = arith.select %lt3A_631, %add3A_636, %select_n3A_627 : vector<8x2048xi1>, vector<8x2048xf32>
    %slice3A_638 = vector.extract_strided_slice %dot_general3A_19 {offsets = [488, 0], sizes = [8, 2048], strides = [1, 1]} : vector<512x2048xf32> to vector<8x2048xf32>
    %add3A_639 = vector.broadcast %get3A_18 : vector<1x2048xf32> to vector<8x2048xf32>
    %add3A_640 = arith.addf %add3A_639, %slice3A_638 : vector<8x2048xf32>
    %lt3A_641 = arith.cmpf olt, %add3A_640, %select_n3A_632 : vector<8x2048xf32>
    %select_n3A_642 = arith.select %lt3A_641, %add3A_640, %select_n3A_632 : vector<8x2048xi1>, vector<8x2048xf32>
    %add3A_643 = arith.constant 4.880000e+02 : f32
    %add3A_644 = arith.addf %convert_element_type3A_28, %add3A_643 : f32
    %add3A_645 = vector.broadcast %add3A_644 : f32 to vector<8x2048xf32>
    %add3A_646 = arith.addf %convert_element_type3A_26, %add3A_645 : vector<8x2048xf32>
    %select_n3A_647 = arith.select %lt3A_641, %add3A_646, %select_n3A_637 : vector<8x2048xi1>, vector<8x2048xf32>
    %slice3A_648 = vector.extract_strided_slice %dot_general3A_19 {offsets = [496, 0], sizes = [8, 2048], strides = [1, 1]} : vector<512x2048xf32> to vector<8x2048xf32>
    %add3A_649 = vector.broadcast %get3A_18 : vector<1x2048xf32> to vector<8x2048xf32>
    %add3A_650 = arith.addf %add3A_649, %slice3A_648 : vector<8x2048xf32>
    %lt3A_651 = arith.cmpf olt, %add3A_650, %select_n3A_642 : vector<8x2048xf32>
    %select_n3A_652 = arith.select %lt3A_651, %add3A_650, %select_n3A_642 : vector<8x2048xi1>, vector<8x2048xf32>
    %add3A_653 = arith.constant 4.960000e+02 : f32
    %add3A_654 = arith.addf %convert_element_type3A_28, %add3A_653 : f32
    %add3A_655 = vector.broadcast %add3A_654 : f32 to vector<8x2048xf32>
    %add3A_656 = arith.addf %convert_element_type3A_26, %add3A_655 : vector<8x2048xf32>
    %select_n3A_657 = arith.select %lt3A_651, %add3A_656, %select_n3A_647 : vector<8x2048xi1>, vector<8x2048xf32>
    %slice3A_658 = vector.extract_strided_slice %dot_general3A_19 {offsets = [504, 0], sizes = [8, 2048], strides = [1, 1]} : vector<512x2048xf32> to vector<8x2048xf32>
    %add3A_659 = vector.broadcast %get3A_18 : vector<1x2048xf32> to vector<8x2048xf32>
    %add3A_660 = arith.addf %add3A_659, %slice3A_658 : vector<8x2048xf32>
    %lt3A_661 = arith.cmpf olt, %add3A_660, %select_n3A_652 : vector<8x2048xf32>
    %select_n3A_662 = arith.select %lt3A_661, %add3A_660, %select_n3A_652 : vector<8x2048xi1>, vector<8x2048xf32>
    %add3A_663 = arith.constant 5.040000e+02 : f32
    %add3A_664 = arith.addf %convert_element_type3A_28, %add3A_663 : f32
    %add3A_665 = vector.broadcast %add3A_664 : f32 to vector<8x2048xf32>
    %add3A_666 = arith.addf %convert_element_type3A_26, %add3A_665 : vector<8x2048xf32>
    %select_n3A_667 = arith.select %lt3A_661, %add3A_666, %select_n3A_657 : vector<8x2048xi1>, vector<8x2048xf32>
    %swap3A = arith.constant 0 : index
    %swap3A_668 = arith.constant 0 : index
    %swap3A_669 = vector.load %arg6[%swap3A, %swap3A_668] : memref<8x2048xf32, #tpu.memory_space<vmem>>, vector<8x2048xf32>
    tpu.vector_store %arg6[%swap3A, %swap3A_668], %select_n3A_662 {strides = array<i32>} : memref<8x2048xf32, #tpu.memory_space<vmem>>, vector<8x2048xf32>,
    %swap3A_670 = arith.constant 0 : index
    %swap3A_671 = arith.constant 0 : index
    %swap3A_672 = vector.load %arg7[%swap3A_670, %swap3A_671] : memref<8x2048xf32, #tpu.memory_space<vmem>>, vector<8x2048xf32>
    tpu.vector_store %arg7[%swap3A_670, %swap3A_671], %select_n3A_667 {strides = array<i32>} : memref<8x2048xf32, #tpu.memory_space<vmem>>, vector<8x2048xf32>,
    %jit3A_673 = arith.constant 8 : i32
    %eq3A_674 = arith.constant 0 : i32
    %eq3A_675 = arith.cmpi eq, %jit3A_673, %eq3A_674 : i32
    %jit3A_676 = arith.constant 1 : i32
    %select_n3A_677 = arith.select %eq3A_675, %jit3A_676, %jit3A_673 : i32
    %rem3A_678 = arith.remsi %arg1, %select_n3A_677 : i32
    %ne3A_679 = arith.constant 0 : i32
    %ne3A_680 = arith.cmpi ne, %rem3A_678, %ne3A_679 : i32
    %lt3A_681 = arith.constant 0 : i32
    %lt3A_682 = arith.cmpi slt, %rem3A_678, %lt3A_681 : i32
    %lt3A_683 = arith.constant 0 : i32
    %lt3A_684 = arith.cmpi slt, %select_n3A_677, %lt3A_683 : i32
    %ne3A_685 = arith.xori %lt3A_682, %lt3A_684 : i1
    %and3A_686 = arith.andi %ne3A_685, %ne3A_680 : i1
    %add3A_687 = arith.addi %rem3A_678, %select_n3A_677 : i32
    %select_n3A_688 = arith.select %and3A_686, %add3A_687, %rem3A_678 : i32
    %eq3A_689 = arith.constant 7 : i32
    %eq3A_690 = arith.cmpi eq, %select_n3A_688, %eq3A_689 : i32
    %convert_element_type3A_691 = arith.extui %eq3A_690 : i1 to i32
    %cond3A_692 = arith.constant 0 : i32
    %cond3A_693 = arith.cmpi ne, %convert_element_type3A_691, %cond3A_692 : i32
    scf.if %cond3A_693 {
      %get3A_694 = arith.constant 0 : index
      %get3A_695 = arith.constant 0 : index
      %get3A_696 = vector.load %arg6[%get3A_694, %get3A_695] : memref<8x2048xf32, #tpu.memory_space<vmem>>, vector<8x2048xf32>
      %get3A_697 = arith.constant 0 : index
      %get3A_698 = arith.constant 0 : index
      %get3A_699 = vector.load %arg7[%get3A_697, %get3A_698] : memref<8x2048xf32, #tpu.memory_space<vmem>>, vector<8x2048xf32>
      %slice3A_700 = vector.extract_strided_slice %get3A_696 {offsets = [0, 0], sizes = [4, 2048], strides = [1, 1]} : vector<8x2048xf32> to vector<4x2048xf32>
      %slice3A_701 = vector.extract_strided_slice %get3A_699 {offsets = [0, 0], sizes = [4, 2048], strides = [1, 1]} : vector<8x2048xf32> to vector<4x2048xf32>
      %slice3A_702 = vector.extract_strided_slice %get3A_696 {offsets = [4, 0], sizes = [4, 2048], strides = [1, 1]} : vector<8x2048xf32> to vector<4x2048xf32>
      %slice3A_703 = vector.extract_strided_slice %get3A_699 {offsets = [4, 0], sizes = [4, 2048], strides = [1, 1]} : vector<8x2048xf32> to vector<4x2048xf32>
      %lt3A_704 = arith.cmpf olt, %slice3A_702, %slice3A_700 : vector<4x2048xf32>
      %eq3A_705 = arith.cmpf oeq, %slice3A_702, %slice3A_700 : vector<4x2048xf32>
      %lt3A_706 = arith.cmpf olt, %slice3A_703, %slice3A_701 : vector<4x2048xf32>
      %and3A_707 = arith.andi %eq3A_705, %lt3A_706 : vector<4x2048xi1>
      %or3A = arith.ori %lt3A_704, %and3A_707 : vector<4x2048xi1>
      %select_n3A_708 = arith.select %or3A, %slice3A_702, %slice3A_700 : vector<4x2048xi1>, vector<4x2048xf32>
      %select_n3A_709 = arith.select %or3A, %slice3A_703, %slice3A_701 : vector<4x2048xi1>, vector<4x2048xf32>
      %slice3A_710 = vector.extract_strided_slice %select_n3A_708 {offsets = [0, 0], sizes = [2, 2048], strides = [1, 1]} : vector<4x2048xf32> to vector<2x2048xf32>
      %slice3A_711 = vector.extract_strided_slice %select_n3A_709 {offsets = [0, 0], sizes = [2, 2048], strides = [1, 1]} : vector<4x2048xf32> to vector<2x2048xf32>
      %slice3A_712 = vector.extract_strided_slice %select_n3A_708 {offsets = [2, 0], sizes = [2, 2048], strides = [1, 1]} : vector<4x2048xf32> to vector<2x2048xf32>
      %slice3A_713 = vector.extract_strided_slice %select_n3A_709 {offsets = [2, 0], sizes = [2, 2048], strides = [1, 1]} : vector<4x2048xf32> to vector<2x2048xf32>
      %lt3A_714 = arith.cmpf olt, %slice3A_712, %slice3A_710 : vector<2x2048xf32>
      %eq3A_715 = arith.cmpf oeq, %slice3A_712, %slice3A_710 : vector<2x2048xf32>
      %lt3A_716 = arith.cmpf olt, %slice3A_713, %slice3A_711 : vector<2x2048xf32>
      %and3A_717 = arith.andi %eq3A_715, %lt3A_716 : vector<2x2048xi1>
      %or3A_718 = arith.ori %lt3A_714, %and3A_717 : vector<2x2048xi1>
      %select_n3A_719 = arith.select %or3A_718, %slice3A_712, %slice3A_710 : vector<2x2048xi1>, vector<2x2048xf32>
      %select_n3A_720 = arith.select %or3A_718, %slice3A_713, %slice3A_711 : vector<2x2048xi1>, vector<2x2048xf32>
      %slice3A_721 = vector.extract_strided_slice %select_n3A_719 {offsets = [0, 0], sizes = [1, 2048], strides = [1, 1]} : vector<2x2048xf32> to vector<1x2048xf32>
      %slice3A_722 = vector.extract_strided_slice %select_n3A_720 {offsets = [0, 0], sizes = [1, 2048], strides = [1, 1]} : vector<2x2048xf32> to vector<1x2048xf32>
      %slice3A_723 = vector.extract_strided_slice %select_n3A_719 {offsets = [1, 0], sizes = [1, 2048], strides = [1, 1]} : vector<2x2048xf32> to vector<1x2048xf32>
      %slice3A_724 = vector.extract_strided_slice %select_n3A_720 {offsets = [1, 0], sizes = [1, 2048], strides = [1, 1]} : vector<2x2048xf32> to vector<1x2048xf32>
      %lt3A_725 = arith.cmpf olt, %slice3A_723, %slice3A_721 : vector<1x2048xf32>
      %eq3A_726 = arith.cmpf oeq, %slice3A_723, %slice3A_721 : vector<1x2048xf32>
      %lt3A_727 = arith.cmpf olt, %slice3A_724, %slice3A_722 : vector<1x2048xf32>
      %and3A_728 = arith.andi %eq3A_726, %lt3A_727 : vector<1x2048xi1>
      %or3A_729 = arith.ori %lt3A_725, %and3A_728 : vector<1x2048xi1>
      %select_n3A_730 = arith.select %or3A_729, %slice3A_723, %slice3A_721 : vector<1x2048xi1>, vector<1x2048xf32>
      %select_n3A_731 = arith.select %or3A_729, %slice3A_724, %slice3A_722 : vector<1x2048xi1>, vector<1x2048xf32>
      %eq3A_732 = arith.constant 7 : i32
      %eq3A_733 = arith.cmpi eq, %arg1, %eq3A_732 : i32
      %convert_element_type3A_734 = arith.extui %eq3A_733 : i1 to i32
      %cond3A_735 = arith.constant 0 : i32
      %cond3A_736 = arith.cmpi ne, %convert_element_type3A_734, %cond3A_735 : i32
      scf.if %cond3A_736 {
        %swap3A_742 = arith.constant 0 : index
        %swap3A_743 = arith.constant 0 : index
        %swap3A_744 = vector.load %arg8[%swap3A_742, %swap3A_743] : memref<1x2048xf32, #tpu.memory_space<vmem>>, vector<1x2048xf32>
        tpu.vector_store %arg8[%swap3A_742, %swap3A_743], %select_n3A_730 {strides = array<i32>} : memref<1x2048xf32, #tpu.memory_space<vmem>>, vector<1x2048xf32>,
        %swap3A_745 = arith.constant 0 : index
        %swap3A_746 = arith.constant 0 : index
        %swap3A_747 = vector.load %arg9[%swap3A_745, %swap3A_746] : memref<1x2048xf32, #tpu.memory_space<vmem>>, vector<1x2048xf32>
        tpu.vector_store %arg9[%swap3A_745, %swap3A_746], %select_n3A_731 {strides = array<i32>} : memref<1x2048xf32, #tpu.memory_space<vmem>>, vector<1x2048xf32>,
      } else {
      }
      %eq3A_737 = arith.constant 15 : i32
      %eq3A_738 = arith.cmpi eq, %arg1, %eq3A_737 : i32
      %convert_element_type3A_739 = arith.extui %eq3A_738 : i1 to i32
      %cond3A_740 = arith.constant 0 : i32
      %cond3A_741 = arith.cmpi ne, %convert_element_type3A_739, %cond3A_740 : i32
      scf.if %cond3A_741 {
        %get3A_742 = arith.constant 0 : index
        %get3A_743 = arith.constant 0 : index
        %get3A_744 = vector.load %arg8[%get3A_742, %get3A_743] : memref<1x2048xf32, #tpu.memory_space<vmem>>, vector<1x2048xf32>
        %get3A_745 = arith.constant 0 : index
        %get3A_746 = arith.constant 0 : index
        %get3A_747 = vector.load %arg9[%get3A_745, %get3A_746] : memref<1x2048xf32, #tpu.memory_space<vmem>>, vector<1x2048xf32>
        %convert_element_type3A_748 = arith.truncf %get3A_744 : vector<1x2048xf32> to vector<1x2048xbf16>
        %convert_element_type3A_749 = arith.extf %convert_element_type3A_748 : vector<1x2048xbf16> to vector<1x2048xf32>
        %lt3A_750 = arith.cmpf olt, %select_n3A_730, %convert_element_type3A_749 : vector<1x2048xf32>
        %select_n3A_751 = arith.select %lt3A_750, %select_n3A_731, %get3A_747 : vector<1x2048xi1>, vector<1x2048xf32>
        %convert_element_type3A_752 = arith.fptosi %select_n3A_751 : vector<1x2048xf32> to vector<1x2048xi32>
        %swap3A_753 = arith.constant 0 : index
        %swap3A_754 = arith.constant 0 : index
        %swap3A_755 = vector.load %arg5[%swap3A_753, %swap3A_754] : memref<1x2048xi32, #tpu.memory_space<vmem>>, vector<1x2048xi32>
        tpu.vector_store %arg5[%swap3A_753, %swap3A_754], %convert_element_type3A_752 {strides = array<i32>} : memref<1x2048xi32, #tpu.memory_space<vmem>>, vector<1x2048xi32>,
      } else {
      }
    } else {
    }
    return
  }
  func.func @transform_0(%arg0: i32, %arg1: i32) -> (i32, i32) {
    %c0_i32 = arith.constant 0 : i32
    %c0_i32_0 = arith.constant 0 : i32
    return %arg0, %c0_i32 : i32, i32
  }
  func.func @transform_1(%arg0: i32, %arg1: i32) -> (i32, i32) {
    %c0_i32 = arith.constant 0 : i32
    %c0_i32_0 = arith.constant 0 : i32
    return %arg1, %c0_i32 : i32, i32
  }
  func.func @transform_2(%arg0: i32, %arg1: i32) -> (i32, i32) {
    %c0_i32 = arith.constant 0 : i32
    %c0_i32_0 = arith.constant 0 : i32
    return %c0_i32, %arg0 : i32, i32
  }
  func.func @transform_3(%arg0: i32, %arg1: i32) -> (i32, i32) {
    %c0_i32 = arith.constant 0 : i32
    %c0_i32_0 = arith.constant 0 : i32
    return %c0_i32, %arg0 : i32, i32
  }
}

</mosaic_0001>

<sc_bundles>
// kernel: kernel.4.cloned.1.call-start
scs
__scs_entry_jumppad:
0x0: {  	(pc) =	sbr.rel $0x88, $3  }
0x1: {  	(tag) =	ssettag $0x0;
	lr =	simm.s32 $0x1  }
0x2: {  	[smem:$0x3F9F] =	sst lr;
	_ =	strace $0xD0000000  }
0x3: {  	_ = 	snop  }
0x4: {  	_ = 	snop  }
0x5: {  	_ = 	snop  }
0x6: {  	_ = 	snop  }
0x7: {  	_ = 	snop  }
__scs_overlays_trampoline_lowered:
0x8: {  	[smem:$0x3FAE] =	sst s0  }
0x9: {  	[smem:$0x3FAF] =	sst s1  }
0xa: {  	[smem:$0x3FB0] =	sst s2  }
0xb: {  	[smem:$0x3FB1] =	sst s3  }
0xc: {  	[smem:$0x3FB2] =	sst s4  }
0xd: {  	[smem:$0x3FB3] =	sst s5  }
0xe: {  	[smem:$0x3FB4] =	sst s6  }
0xf: {  	[smem:$0x3FB5] =	sst s7  }
0x10: {  	[smem:$0x3FB6] =	sst s8  }
0x11: {  	[smem:$0x3FB7] =	sst s9;
	s0 =	simm.s32 @!p0 $0x0  }
0x12: {  	s1 =	sld [smem:$0x3F9D];
	s0 =	simm.s32 @p0 $0x1  }
0x13: {  	[smem:$0x3FB8] =	sst s0;
	s0 =	simm.s32 @!p1 $0x0  }
0x14: {  	s2 =	sld [smem:$0x3F9C];
	s0 =	simm.s32 @p1 $0x1  }
0x15: {  	[smem:$0x3FB9] =	sst s0;
	s0 =	simm.s32 @!p2 $0x0  }
0x16: {  	s3 =	sld [smem:$0x3FDB];
	s0 =	simm.s32 @p2 $0x1  }
0x17: {  	s4 =	simm.s32 $0x1BF5;
	[smem:$0x3FBB] =	sst s0  }
0x18: {  	s0 =	sld [smem:$0x3F9E];
	_ =	swait.ge [sflag:s4], $0x0  }
0x19: {  	s7 =	sld [smem:$0x3F9F]  }
0x1a: {  	s8 =	sadd.s32 $0xFFFFE003, lr  }
0x1b: {  	s9 =	sadd.s32 $0xFFFFFEF7, lr;
	s5 =	simm.s32 $0xFFFFFFFF;
	p2 =	slt.u32 s8, $0xFFFFF086  }
0x1c: {  	p1 =	slt.u32 s9, $0xF7A;
	s5 =	simm.s32 @!p2 $0x0  }
0x1d: {  	s5 =	simm.s32 @p1 $0x1;
	p0 =	seq.s32 s7, s2  }
0x1e: {  	s7 =	smul.u32 @!p0 $0xF7A, s2;
	p2 =	seq.s32 @!p0 s5, $0x0  }
0x1f: {  	s9 =	smul.u32 $0xF7A, s1;
	s8 =	simm.s32 @!p0 $0x1BF5;
	p2 =	por !p2, p0  }
0x20: {  	[sflag:s8] =	ssyncset.s32 @!p0 $0xFFFFF086;
	s6 =	sadd.s32 @!p0 s3, s7;
	s7 =	simm.s32 @!p0 $0x108  }
0x21: {  	s3 =	sadd.s32 s3, s9;
	s6 =	sadd.s32 @!p0 $0x88, s6;
	s7 =	simm.s32 @p2 $0x1082  }
0x22: {  	[simem:s7], [sflag:s8] =	dma.local @!p0 [hbm:s6], $0xF7A  }
0x23: {  	s9 =	sor.u32 $0xD0000000, s2;
	s6 =	simm.s32 $0x108;
	_ =	swait.ge @!p0 [sflag:s8], $0x0  }
0x24: {  	s3 =	sadd.s32 $0x88, s3;
	s6 =	simm.s32 @!p1 $0x1082;
	[sflag:s4] =	ssyncset.s32 $0xFFFFF086  }
0x25: {  	[simem:s6], [sflag:s4] =	dma.local [hbm:s3], $0xF7A  }
0x26: {  	[smem:$0x3F9F] =	sst s1;
	(tag) =	ssettag s2;
	_ =	strace s9  }
0x27: {  	s1 =	sld [smem:$0x3FAF]  }
0x28: {  	s2 =	sld [smem:$0x3FB0]  }
0x29: {  	s4 =	sld [smem:$0x3FB2]  }
0x2a: {  	p0 =	seq.s32 s5, $0x0;
	s5 =	sld [smem:$0x3FB3]  }
0x2b: {  	s6 =	sld [smem:$0x3FB4]  }
0x2c: {  	s7 =	sld [smem:$0x3FB5]  }
0x2d: {  	s3 =	simm.s32 $0x108;
	s8 =	sld [smem:$0x3FB6]  }
0x2e: {  	s3 =	simm.s32 @!p0 $0x1082;
	s9 =	sld [smem:$0x3FB7]  }
0x2f: {  	lr =	sadd.s32 s0, s3;
	s0 =	sld [smem:$0x3FAE]  }
0x30: {  	s3 =	sld [smem:$0x3FB1]  }
0x31: {  	[smem:$0x3FBA] =	sst s10  }
0x32: {  	s10 =	sld [smem:$0x3FB8];
	_ =	sdelay $0x3  }
0x33: {  	p0 =	seq.s32 s10, $0x1;
	s10 =	sld [smem:$0x3FBA];
	_ =	sdelay $0x3  }
0x34: {  	[smem:$0x3FBA] =	sst s10  }
0x35: {  	s10 =	sld [smem:$0x3FB9];
	_ =	sdelay $0x3  }
0x36: {  	p1 =	seq.s32 s10, $0x1;
	s10 =	sld [smem:$0x3FBA];
	_ =	sdelay $0x3  }
0x37: {  	[smem:$0x3FBA] =	sst s10  }
0x38: {  	s10 =	sld [smem:$0x3FBB]  }
0x39: {  	_ = 	snop;
	(pc) =	sbr.ind lr, $3  }
0x3a: {  	_ = 	snop  }
0x3b: {  	_ = 	snop  }
0x3c: {  	p2 =	seq.s32 s10, $0x1;
	s10 =	sld [smem:$0x3FBA]  }
0x3d: {  	_ =	shalt  }
0x3e: {  	_ =	shalt  }
0x3f: {  	_ =	shalt  }
0x40: {  	_ =	shalt  }
0x41: {  	_ =	shalt  }
0x42: {  	_ =	shalt  }
0x43: {  	_ =	shalt  }
0x44: {  	_ =	shalt  }
0x45: {  	_ =	shalt  }
0x46: {  	_ =	shalt  }
0x47: {  	_ =	shalt  }
0x48: {  	_ =	shalt  }
0x49: {  	_ =	shalt  }
0x4a: {  	_ =	shalt  }
0x4b: {  	_ =	shalt  }
0x4c: {  	_ =	shalt  }
0x4d: {  	_ =	shalt  }
0x4e: {  	_ =	shalt  }
0x4f: {  	_ =	shalt  }
0x50: {  	_ =	shalt  }
0x51: {  	_ =	shalt  }
0x52: {  	_ =	shalt  }
0x53: {  	_ =	shalt  }
0x54: {  	_ =	shalt  }
0x55: {  	_ =	shalt  }
0x56: {  	_ =	shalt  }
0x57: {  	_ =	shalt  }
0x58: {  	_ =	shalt  }
0x59: {  	_ =	shalt  }
0x5a: {  	_ =	shalt  }
0x5b: {  	_ =	shalt  }
0x5c: {  	_ =	shalt  }
0x5d: {  	_ =	shalt  }
0x5e: {  	_ =	shalt  }
0x5f: {  	_ =	shalt  }
0x60: {  	_ =	shalt  }
0x61: {  	_ =	shalt  }
0x62: {  	_ =	shalt  }
0x63: {  	_ =	shalt  }
0x64: {  	_ =	shalt  }
0x65: {  	_ =	shalt  }
0x66: {  	_ =	shalt  }
0x67: {  	_ =	shalt  }
0x68: {  	_ =	shalt  }
0x69: {  	_ =	shalt  }
0x6a: {  	_ =	shalt  }
0x6b: {  	_ =	shalt  }
0x6c: {  	_ =	shalt  }
0x6d: {  	_ =	shalt  }
0x6e: {  	_ =	shalt  }
0x6f: {  	_ =	shalt  }
0x70: {  	_ =	shalt  }
0x71: {  	_ =	shalt  }
0x72: {  	_ =	shalt  }
0x73: {  	_ =	shalt  }
0x74: {  	_ =	shalt  }
0x75: {  	_ =	shalt  }
0x76: {  	_ =	shalt  }
0x77: {  	_ =	shalt  }
0x78: {  	_ =	shalt  }
0x79: {  	_ =	shalt  }
0x7a: {  	_ =	shalt  }
0x7b: {  	_ =	shalt  }
0x7c: {  	_ =	shalt  }
0x7d: {  	_ =	shalt  }
0x7e: {  	_ =	shalt  }
0x7f: {  	_ =	shalt  }
0x80: {  	_ =	shalt  }
0x81: {  	_ =	shalt  }
0x82: {  	_ =	shalt  }
0x83: {  	_ =	shalt  }
0x84: {  	_ =	shalt  }
0x85: {  	_ =	shalt  }
0x86: {  	_ =	shalt  }
0x87: {  	_ =	shalt  }
.Lfunc_end0:
.L_simem_size_0:
called_computation_lowered:
.L_overlay_start_0:
0x88: {  	s2 =	sld [smem:$0x3FD9]  }
0x89: {  	s3 =	sld [smem:$0x3FFE];
	_ =	sdelay $0x1  }
0x8a: {  	s1 =	srdreg.scid  }
0x8b: {  	s0 =	sand.u32 $0x1, s1  }
0x8c: {  	s14 =	sshll.u32 s0, $0xA;
	s2 =	sadd.s32 s3, s2  }
0x8d: {  	s2 =	sadd.s32 s2, s14  }
0x8e: {  	[smem:$0x3FC6] =	sst s2  }
0x8f: {  	_ = 	snop  }
0x90: {  	s2 =	sld [smem:$0x3FD0];
	_ =	sdelay $0x2  }
0x91: {  	s4 =	simm.s32 $0xA;
	s5 =	simm.s32 $0x10;
	s15 =	sld [smem:$0x3FC8]  }
0x92: {  	[smem:s5], [sflag:s4] =	dma.local [hbm:s2], $0x1  }
0x93: {  	_ =	swait.eq [sflag:s4], $0x1  }
0x94: {  	[sflag:s4] =	ssyncset.done $0x0  }
0x95: {  	[sflag:s4] =	ssyncadd.s32 $0xFFFFFFFF  }
0x96: {  	s16 =	sld [smem:$0x10];
	(tm) =	ssettm $0x1  }
0x97: {  	s17 =	sld [smem:$0x3FFB];
	_ =	sdelay $0x3  }
0x98: {  	_ =	strace s17  }
0x99: {  	s4 =	sld [smem:$0x3FFC];
	_ =	sdelay $0x3  }
0x9a: {  	_ =	strace s4  }
0x9b: {  	s4 =	sld [smem:$0x3FFD];
	_ =	sdelay $0x3  }
0x9c: {  	_ =	strace s4  }
0x9d: {  	_ =	strace $0x8FFFFFFF  }
0x9e: {  	s18 =	sld [smem:$0x3FDB];
	_ =	sdelay $0x1  }
0x9f: {  	s19 =	simm.s32 $_scs_section_size  }
0xa0: {  	s6 =	simm.s32 $_size__tile_overlayer_lowered;
	s7 =	simm.s32 $_tile_overlayer_lowered  }
0xa1: {  	s22 =	simm.s32 $0x1BFF;
	s21 =	sshll.u32 s7, $0x1;
	s4 =	sadd.s32 s19, s18  }
0xa2: {  	s8 =	simm.s32 $0x0;
	s20 =	sshll.u32 s6, $0x1;
	s6 =	sadd.s32 s21, s4  }
0xa3: {  	[timem:s8], [sflag:s22] =	dma.local [hbm:s6], s20  }
0xa4: {  	_ =	swait.ge [sflag:s22], s20  }
0xa5: {  	s5 =	ssub.s32 $0x0, s20;
	[sflag:s22] =	ssyncset.done $0x0  }
0xa6: {  	[sflag:s22] =	ssyncadd.s32 s5;
	_ =	sdelay $0x1  }
0xa7: {  	s23 =	simm.s32 $0x1B8B  }
0xa8: {  	_ =	swait.ge [sflag:s23], $0x1  }
0xa9: {  	[sflag:s23] =	ssyncset.done $0x0  }
0xaa: {  	s25 =	simm.s32 $0x1B8E;
	s24 =	sld [smem:$0x3FFE];
	[sflag:s23] =	ssyncadd.s32 $0xFFFFFFFF  }
0xab: {  	s26 =	simm.s32 $execute0_lowered;
	[smem:$0x3FD2] =	sst s25  }
0xac: {  	s6 =	sshll.u32 s26, $0x1;
	_ =	strace $0x80000046;
	[dreg:$0x1] =	wrdreg $0xFFFFFFFF  }
0xad: {  	s28 =	simm.s32 $_size_execute0_lowered;
	s4 =	sadd.s32 s4, s6;
	[dreg:$0x0] =	wrdreg $0x0  }
0xae: {  	s6 =	sshll.u32 s28, $0x1;
	[dreg:$0x2] =	wrdreg s4  }
0xaf: {  	[dreg:$0x3] =	wrdreg s6  }
0xb0: {  	[dreg:$0x4] =	wrdreg $0xC0  }
0xb1: {  	_ =	task [dreg:s8], $0x5FFFF  }
0xb2: {  	[dreg:$0x1] =	wrdreg $0xFFFFFFFF  }
0xb3: {  	[dreg:$0x0] =	wrdreg $0x60  }
0xb4: {  	[dreg:$0x2] =	wrdreg s15  }
0xb5: {  	[dreg:$0x3] =	wrdreg s24  }
0xb6: {  	[dreg:$0x4] =	wrdreg s16  }
0xb7: {  	[dreg:$0x5] =	wrdreg $0x9  }
0xb8: {  	_ =	task.clear_ibuf [dreg:s8], $0x6FFFF;
	_ =	strace $0x90000046  }
0xb9: {  	s29 =	simm.s32 $0x9;
	_ =	strace $0x80000048  }
0xba: {  	_ =	swait.ge [sflag:s29], $0x1  }
0xbb: {  	[sflag:s29] =	ssyncadd.s32 $0xFFFFFFFF  }
0xbc: {  	_ =	strace $0x90000048  }
0xbd: {  	_ =	sfence  }
0xbe: {  	s30 =	sld [smem:$0x0];
	_ =	sdelay $0x2  }
0xbf: {  	s31 =	sshll.u32 s1, $0xD;
	s1 =	sshrl.u32 s1, $0x2  }
0xc0: {  	s3 =	sand.u32 $0x4000, s31;
	s1 =	sadd.s32 s1, s30  }
0xc1: {  	s0 =	sor.u32 s3, s0;
	s1 =	sshll.u32 s1, $0x11  }
0xc2: {  	s0 =	sor.u32 s1, s0  }
0xc3: {  	s0 =	sadd.s32 $0x8F2B, s0  }
0xc4: {  	[sflag:s0] =	ssyncadd.remote.s32 $0x1  }
0xc5: {  	_ =	sfence.sel $0xFFFF  }
0xc6: {  	[dreg:$0x0] =	wrdreg $0xFFFFFFFF;
	(pc) =	sbr.abs _section_cstart, $3  }
0xc7: {  	[dreg:$0x1] =	wrdreg $0xFFFFFFFF  }
0xc8: {  	_ =	task.clear_ibuf [dreg:s8], $0x2FFFF;
	_ =	strace $0x9FFFFFFF  }
0xc9: {  	(tm) =	ssettm $0x7FFFFFFF  }
tec
execute0_lowered:
.L_overlay_start_1:
0x0: {  	(tag) =	ssettag $0x1  }
0x1: {  	s0 =	srdreg.scid;
	s1 =	rddreg [dreg:$0x0]  }
0x2: {  	s3 =	stileid.u32;
	s2 =	rddreg [dreg:$0x1]  }
0x3: {  	s5 =	rddreg [dreg:$0x2];
	s15 =	simm.s32 $0x2;
	s17 =	simm.s32 $0x1200  }
0x4: {  	s18 =	simm.s32 $0x1A00;
	s19 =	simm.s32 $0x2200;
	s20 =	simm.s32 $0x2A00  }
0x5: {  	s21 =	simm.s32 $0x3200;
	s22 =	simm.s32 $0x3A00;
	s28 =	simm.s32 $0x5A00  }
0x6: {  	s29 =	simm.s32 $0x6200;
	s30 =	simm.s32 $0x6A00;
	s31 =	simm.s32 $0x7200  }
0x7: {  	s8 =	simm.s32 $0x9200;
	s9 =	simm.s32 $0x9A00;
	s10 =	simm.s32 $0xA200  }
0x8: {  	s11 =	simm.s32 $0xAA00;
	s13 =	simm.s32 $0xBA00;
	s0 =	sand.u32 $0x1, s0  }
0x9: {  	s14 =	simm.s32 $0x200;
	s3 =	sshll.u32 s3, $0xA;
	s4 =	sshll.u32 s0, $0x9  }
0xa: {  	s0 =	ssub.s32 $0x2, s0;
	s4 =	sor.u32 s4, s3;
	s3 =	simm.s32 $0x0  }
0xb: {  	s25 =	sshrl.u32 s0, $0x1;
	s6 =	sshrl.u32 s4, $0x3;
	s4 =	sshll.u32 s4, $0x5  }
0xc: {  	[smem:$0x7FF] =	sst s3;
	s2 =	sadd.s32 s6, s2;
	s4 =	sadd.s32 s5, s4  }
0xd: {  	_ =	strace $0x80000047;
	s2 =	sadd.s32 $0x200, s2;
	[dreg:$0x8] =	wrdreg s4  }
0xe: {  	s0 =	ssub.s32 s0, s25;
	s23 =	sadd.s32 $0x1000, s4;
	[dreg:$0x4] =	wrdreg s2  }
0xf: {  	s25 =	simm.s32 $0x4A00;
	s24 =	sadd.s32 $0x2000, s4;
	[dreg:$0x5] =	wrdreg s23  }
0x10: {  	v2 =	vlaneseq.u32;
	s5 =	smax.u32 s0, $0x1;
	s26 =	sadd.s32 $0x3000, s4;
	[dreg:$0x6] =	wrdreg s24  }
0x11: {  	vm0 =	vmmov $0xffff;
	v1 =	vshrl.u32 v2, $0x3;
	s6 =	simm.s32 $0x3;
	s4 =	simm.s32 $0x1;
	[dreg:$0x7] =	wrdreg s26  }
0x12: {  	v0 =	vand.u32 $0x7, v2;
	v2 =	vor.u32 $0x8, v2;
	v1 =	vmul.u32 $0x8, v1;
	s24 =	simm.s32 $0x4200;
	s26 =	simm.s32 $0x5200;
	s23 =	simm.s32 $0x8A00  }
.LBB2_1:
0x13: {  	s16 =	rddreg [dreg:$0x4]  }
0x14: {  	[tilespmem:s3], [sflag:$0x3] =	stream.linear.gather [hbm4b:s16+s3], $0x200, $0x38;
	[tilespmem:$0x10200] =	vst v63  }
0x15: {  	_ =	swait.ge [sflag:s6], $0x200  }
0x16: {  	[sflag:s6] =	ssyncset.done $0x0  }
0x17: {  	[sflag:s6] =	ssyncadd.s32 $0xFFFFFE00  }
0x18: {  	v3 =	vld [tilespmem:$0x0];
	_ =	sdelay $0x4  }
0x19: {  	v4 =	vshll.u32 v3, $0x1  }
0x1a: {  	v3 =	vand.u32 $0x7, v3;
	v4 =	vand.u32 $0xFFFFFFF0, v4  }
0x1b: {  	v3 =	vor.u32 v3, v4  }
0x1c: {  	v4 =	vperm.xlane v3, v0;
	_ =	sdelay $0x1  }
0x1d: {  	v3 =	vperm.xlane v3, v2;
	v4 =	vadd.s32 v1, v4;
	_ =	sdelay $0x1  }
0x1e: {  	v3 =	vadd.s32 v1, v3;
	_ =	sdelay $0x1  }
0x1f: {  	s0 =	simm.s32 $0x200  }
0x20: {  	[tilespmem:s0], [sflag:$0x1] =	stream.indirect_vreg.gather [hbm4b:s1+s3], $0x80, v4, vm0, $0xb8;
	[tilespmem:$0x10200] =	vst v63  }
0x21: {  	s16 =	simm.s32 $0xA00  }
0x22: {  	[tilespmem:s16], [sflag:$0x1] =	stream.indirect_vreg.gather [hbm4b:s1+s3], $0x80, v3, vm0, $0xb8;
	[tilespmem:$0x10200] =	vst v63  }
0x23: {  	v3 =	vld [tilespmem:$0x10];
	_ =	sdelay $0x4  }
0x24: {  	v33 =	vshll.u32 v3, $0x1  }
0x25: {  	v3 =	vand.u32 $0x7, v3;
	v4 =	vand.u32 $0xFFFFFFF0, v33  }
0x26: {  	v3 =	vor.u32 v3, v4  }
0x27: {  	v4 =	vperm.xlane v3, v0;
	_ =	sdelay $0x1  }
0x28: {  	v3 =	vperm.xlane v3, v2;
	v4 =	vadd.s32 v1, v4;
	_ =	sdelay $0x1  }
0x29: {  	v3 =	vadd.s32 v1, v3;
	_ =	sdelay $0x2  }
0x2a: {  	[tilespmem:s17], [sflag:$0x1] =	stream.indirect_vreg.gather [hbm4b:s1+s3], $0x80, v4, vm0, $0xb8;
	[tilespmem:$0x10200] =	vst v63  }
0x2b: {  	_ = 	snop  }
0x2c: {  	[tilespmem:s18], [sflag:$0x1] =	stream.indirect_vreg.gather [hbm4b:s1+s3], $0x80, v3, vm0, $0xb8;
	[tilespmem:$0x10200] =	vst v63  }
0x2d: {  	v3 =	vld [tilespmem:$0x20];
	_ =	sdelay $0x4  }
0x2e: {  	v34 =	vshll.u32 v3, $0x1  }
0x2f: {  	v3 =	vand.u32 $0x7, v3;
	v4 =	vand.u32 $0xFFFFFFF0, v34  }
0x30: {  	v3 =	vor.u32 v3, v4  }
0x31: {  	v4 =	vperm.xlane v3, v0;
	_ =	sdelay $0x1  }
0x32: {  	v3 =	vperm.xlane v3, v2;
	v4 =	vadd.s32 v1, v4;
	_ =	sdelay $0x1  }
0x33: {  	v3 =	vadd.s32 v1, v3;
	_ =	sdelay $0x2  }
0x34: {  	[tilespmem:s19], [sflag:$0x1] =	stream.indirect_vreg.gather [hbm4b:s1+s3], $0x80, v4, vm0, $0xb8;
	[tilespmem:$0x10200] =	vst v63  }
0x35: {  	_ = 	snop  }
0x36: {  	[tilespmem:s20], [sflag:$0x1] =	stream.indirect_vreg.gather [hbm4b:s1+s3], $0x80, v3, vm0, $0xb8;
	[tilespmem:$0x10200] =	vst v63  }
0x37: {  	v3 =	vld [tilespmem:$0x30];
	_ =	sdelay $0x4  }
0x38: {  	v35 =	vshll.u32 v3, $0x1  }
0x39: {  	v3 =	vand.u32 $0x7, v3;
	v4 =	vand.u32 $0xFFFFFFF0, v35  }
0x3a: {  	v3 =	vor.u32 v3, v4  }
0x3b: {  	v4 =	vperm.xlane v3, v0;
	_ =	sdelay $0x1  }
0x3c: {  	v3 =	vperm.xlane v3, v2;
	v4 =	vadd.s32 v1, v4;
	_ =	sdelay $0x1  }
0x3d: {  	v3 =	vadd.s32 v1, v3;
	_ =	sdelay $0x2  }
0x3e: {  	[tilespmem:s21], [sflag:$0x1] =	stream.indirect_vreg.gather [hbm4b:s1+s3], $0x80, v4, vm0, $0xb8;
	[tilespmem:$0x10200] =	vst v63  }
0x3f: {  	_ = 	snop  }
0x40: {  	[tilespmem:s22], [sflag:$0x1] =	stream.indirect_vreg.gather [hbm4b:s1+s3], $0x80, v3, vm0, $0xb8;
	[tilespmem:$0x10200] =	vst v63  }
0x41: {  	v3 =	vld [tilespmem:$0x40];
	_ =	sdelay $0x4  }
0x42: {  	v36 =	vshll.u32 v3, $0x1  }
0x43: {  	v3 =	vand.u32 $0x7, v3;
	v4 =	vand.u32 $0xFFFFFFF0, v36  }
0x44: {  	v3 =	vor.u32 v3, v4  }
0x45: {  	v4 =	vperm.xlane v3, v0;
	_ =	sdelay $0x1  }
0x46: {  	v3 =	vperm.xlane v3, v2;
	v4 =	vadd.s32 v1, v4;
	_ =	sdelay $0x1  }
0x47: {  	v3 =	vadd.s32 v1, v3;
	_ =	sdelay $0x2  }
0x48: {  	[tilespmem:s24], [sflag:$0x1] =	stream.indirect_vreg.gather [hbm4b:s1+s3], $0x80, v4, vm0, $0xb8;
	[tilespmem:$0x10200] =	vst v63  }
0x49: {  	_ = 	snop  }
0x4a: {  	[tilespmem:s25], [sflag:$0x1] =	stream.indirect_vreg.gather [hbm4b:s1+s3], $0x80, v3, vm0, $0xb8;
	[tilespmem:$0x10200] =	vst v63  }
0x4b: {  	v3 =	vld [tilespmem:$0x50];
	_ =	sdelay $0x4  }
0x4c: {  	v37 =	vshll.u32 v3, $0x1  }
0x4d: {  	v3 =	vand.u32 $0x7, v3;
	v4 =	vand.u32 $0xFFFFFFF0, v37  }
0x4e: {  	v3 =	vor.u32 v3, v4  }
0x4f: {  	v4 =	vperm.xlane v3, v0;
	_ =	sdelay $0x1  }
0x50: {  	v3 =	vperm.xlane v3, v2;
	v4 =	vadd.s32 v1, v4;
	_ =	sdelay $0x1  }
0x51: {  	v3 =	vadd.s32 v1, v3;
	_ =	sdelay $0x2  }
0x52: {  	[tilespmem:s26], [sflag:$0x1] =	stream.indirect_vreg.gather [hbm4b:s1+s3], $0x80, v4, vm0, $0xb8;
	[tilespmem:$0x10200] =	vst v63  }
0x53: {  	_ = 	snop  }
0x54: {  	[tilespmem:s28], [sflag:$0x1] =	stream.indirect_vreg.gather [hbm4b:s1+s3], $0x80, v3, vm0, $0xb8;
	[tilespmem:$0x10200] =	vst v63  }
0x55: {  	v3 =	vld [tilespmem:$0x60];
	_ =	sdelay $0x4  }
0x56: {  	v38 =	vshll.u32 v3, $0x1  }
0x57: {  	v3 =	vand.u32 $0x7, v3;
	v4 =	vand.u32 $0xFFFFFFF0, v38  }
0x58: {  	v3 =	vor.u32 v3, v4  }
0x59: {  	v4 =	vperm.xlane v3, v0;
	_ =	sdelay $0x1  }
0x5a: {  	v3 =	vperm.xlane v3, v2;
	v4 =	vadd.s32 v1, v4;
	_ =	sdelay $0x1  }
0x5b: {  	v3 =	vadd.s32 v1, v3;
	_ =	sdelay $0x2  }
0x5c: {  	[tilespmem:s29], [sflag:$0x1] =	stream.indirect_vreg.gather [hbm4b:s1+s3], $0x80, v4, vm0, $0xb8;
	[tilespmem:$0x10200] =	vst v63  }
0x5d: {  	_ = 	snop  }
0x5e: {  	[tilespmem:s30], [sflag:$0x1] =	stream.indirect_vreg.gather [hbm4b:s1+s3], $0x80, v3, vm0, $0xb8;
	[tilespmem:$0x10200] =	vst v63  }
0x5f: {  	v3 =	vld [tilespmem:$0x70];
	_ =	sdelay $0x4  }
0x60: {  	v39 =	vshll.u32 v3, $0x1  }
0x61: {  	v3 =	vand.u32 $0x7, v3;
	v4 =	vand.u32 $0xFFFFFFF0, v39  }
0x62: {  	v3 =	vor.u32 v3, v4  }
0x63: {  	v4 =	vperm.xlane v3, v0;
	_ =	sdelay $0x1  }
0x64: {  	v3 =	vperm.xlane v3, v2;
	v4 =	vadd.s32 v1, v4;
	_ =	sdelay $0x1  }
0x65: {  	v3 =	vadd.s32 v1, v3;
	_ =	sdelay $0x2  }
0x66: {  	[tilespmem:s31], [sflag:$0x1] =	stream.indirect_vreg.gather [hbm4b:s1+s3], $0x80, v4, vm0, $0xb8;
	[tilespmem:$0x10200] =	vst v63  }
0x67: {  	s2 =	simm.s32 $0x7A00  }
0x68: {  	[tilespmem:s2], [sflag:$0x1] =	stream.indirect_vreg.gather [hbm4b:s1+s3], $0x80, v3, vm0, $0xb8;
	[tilespmem:$0x10200] =	vst v63  }
0x69: {  	v3 =	vld [tilespmem:$0x80];
	_ =	sdelay $0x4  }
0x6a: {  	v40 =	vshll.u32 v3, $0x1  }
0x6b: {  	v3 =	vand.u32 $0x7, v3;
	v4 =	vand.u32 $0xFFFFFFF0, v40  }
0x6c: {  	v3 =	vor.u32 v3, v4  }
0x6d: {  	v4 =	vperm.xlane v3, v0;
	_ =	sdelay $0x1  }
0x6e: {  	v3 =	vperm.xlane v3, v2;
	v4 =	vadd.s32 v1, v4;
	_ =	sdelay $0x1  }
0x6f: {  	v3 =	vadd.s32 v1, v3;
	_ =	sdelay $0x1  }
0x70: {  	s0 =	simm.s32 $0x8200  }
0x71: {  	[tilespmem:s0], [sflag:$0x2] =	stream.indirect_vreg.gather [hbm4b:s1+s3], $0x80, v4, vm0, $0xb8;
	[tilespmem:$0x10200] =	vst v63  }
0x72: {  	_ = 	snop  }
0x73: {  	[tilespmem:s23], [sflag:$0x2] =	stream.indirect_vreg.gather [hbm4b:s1+s3], $0x80, v3, vm0, $0xb8;
	[tilespmem:$0x10200] =	vst v63  }
0x74: {  	v3 =	vld [tilespmem:$0x90];
	_ =	sdelay $0x4  }
0x75: {  	v41 =	vshll.u32 v3, $0x1  }
0x76: {  	v3 =	vand.u32 $0x7, v3;
	v4 =	vand.u32 $0xFFFFFFF0, v41  }
0x77: {  	v3 =	vor.u32 v3, v4  }
0x78: {  	v4 =	vperm.xlane v3, v0;
	_ =	sdelay $0x1  }
0x79: {  	v3 =	vperm.xlane v3, v2;
	v4 =	vadd.s32 v1, v4;
	_ =	sdelay $0x1  }
0x7a: {  	v3 =	vadd.s32 v1, v3;
	_ =	sdelay $0x2  }
0x7b: {  	[tilespmem:s8], [sflag:$0x2] =	stream.indirect_vreg.gather [hbm4b:s1+s3], $0x80, v4, vm0, $0xb8;
	[tilespmem:$0x10200] =	vst v63  }
0x7c: {  	_ = 	snop  }
0x7d: {  	[tilespmem:s9], [sflag:$0x2] =	stream.indirect_vreg.gather [hbm4b:s1+s3], $0x80, v3, vm0, $0xb8;
	[tilespmem:$0x10200] =	vst v63  }
0x7e: {  	v3 =	vld [tilespmem:$0xA0];
	_ =	sdelay $0x4  }
0x7f: {  	v42 =	vshll.u32 v3, $0x1  }
0x80: {  	v3 =	vand.u32 $0x7, v3;
	v4 =	vand.u32 $0xFFFFFFF0, v42  }
0x81: {  	v3 =	vor.u32 v3, v4  }
0x82: {  	v4 =	vperm.xlane v3, v0;
	_ =	sdelay $0x1  }
0x83: {  	v3 =	vperm.xlane v3, v2;
	v4 =	vadd.s32 v1, v4;
	_ =	sdelay $0x1  }
0x84: {  	v3 =	vadd.s32 v1, v3;
	_ =	sdelay $0x2  }
0x85: {  	[tilespmem:s10], [sflag:$0x2] =	stream.indirect_vreg.gather [hbm4b:s1+s3], $0x80, v4, vm0, $0xb8;
	[tilespmem:$0x10200] =	vst v63  }
0x86: {  	_ = 	snop  }
0x87: {  	[tilespmem:s11], [sflag:$0x2] =	stream.indirect_vreg.gather [hbm4b:s1+s3], $0x80, v3, vm0, $0xb8;
	[tilespmem:$0x10200] =	vst v63  }
0x88: {  	v3 =	vld [tilespmem:$0xB0];
	_ =	sdelay $0x4  }
0x89: {  	v43 =	vshll.u32 v3, $0x1  }
0x8a: {  	v3 =	vand.u32 $0x7, v3;
	v4 =	vand.u32 $0xFFFFFFF0, v43  }
0x8b: {  	v3 =	vor.u32 v3, v4  }
0x8c: {  	v4 =	vperm.xlane v3, v0;
	_ =	sdelay $0x1  }
0x8d: {  	v3 =	vperm.xlane v3, v2;
	v4 =	vadd.s32 v1, v4;
	_ =	sdelay $0x1  }
0x8e: {  	v3 =	vadd.s32 v1, v3;
	_ =	sdelay $0x1  }
0x8f: {  	s7 =	simm.s32 $0xB200  }
0x90: {  	[tilespmem:s7], [sflag:$0x2] =	stream.indirect_vreg.gather [hbm4b:s1+s3], $0x80, v4, vm0, $0xb8;
	[tilespmem:$0x10200] =	vst v63  }
0x91: {  	_ = 	snop  }
0x92: {  	[tilespmem:s13], [sflag:$0x2] =	stream.indirect_vreg.gather [hbm4b:s1+s3], $0x80, v3, vm0, $0xb8;
	[tilespmem:$0x10200] =	vst v63  }
0x93: {  	v3 =	vld [tilespmem:$0xC0];
	_ =	sdelay $0x4  }
0x94: {  	v44 =	vshll.u32 v3, $0x1  }
0x95: {  	v3 =	vand.u32 $0x7, v3;
	v4 =	vand.u32 $0xFFFFFFF0, v44  }
0x96: {  	v3 =	vor.u32 v3, v4  }
0x97: {  	v4 =	vperm.xlane v3, v0;
	_ =	sdelay $0x1  }
0x98: {  	v3 =	vperm.xlane v3, v2;
	v4 =	vadd.s32 v1, v4;
	_ =	sdelay $0x1  }
0x99: {  	v3 =	vadd.s32 v1, v3;
	_ =	sdelay $0x1  }
0x9a: {  	s7 =	simm.s32 $0xC200  }
0x9b: {  	[tilespmem:s7], [sflag:$0x2] =	stream.indirect_vreg.gather [hbm4b:s1+s3], $0x80, v4, vm0, $0xb8;
	[tilespmem:$0x10200] =	vst v63  }
0x9c: {  	s12 =	simm.s32 $0xCA00  }
0x9d: {  	[tilespmem:s12], [sflag:$0x2] =	stream.indirect_vreg.gather [hbm4b:s1+s3], $0x80, v3, vm0, $0xb8;
	[tilespmem:$0x10200] =	vst v63  }
0x9e: {  	v3 =	vld [tilespmem:$0xD0];
	_ =	sdelay $0x4  }
0x9f: {  	v45 =	vshll.u32 v3, $0x1  }
0xa0: {  	v3 =	vand.u32 $0x7, v3;
	v4 =	vand.u32 $0xFFFFFFF0, v45  }
0xa1: {  	v3 =	vor.u32 v3, v4  }
0xa2: {  	v4 =	vperm.xlane v3, v0;
	_ =	sdelay $0x1  }
0xa3: {  	v3 =	vperm.xlane v3, v2;
	v4 =	vadd.s32 v1, v4;
	_ =	sdelay $0x1  }
0xa4: {  	v3 =	vadd.s32 v1, v3;
	_ =	sdelay $0x1  }
0xa5: {  	s12 =	simm.s32 $0xD200  }
0xa6: {  	[tilespmem:s12], [sflag:$0x2] =	stream.indirect_vreg.gather [hbm4b:s1+s3], $0x80, v4, vm0, $0xb8;
	[tilespmem:$0x10200] =	vst v63  }
0xa7: {  	s12 =	simm.s32 $0xDA00  }
0xa8: {  	[tilespmem:s12], [sflag:$0x2] =	stream.indirect_vreg.gather [hbm4b:s1+s3], $0x80, v3, vm0, $0xb8;
	[tilespmem:$0x10200] =	vst v63  }
0xa9: {  	v3 =	vld [tilespmem:$0xE0];
	_ =	sdelay $0x4  }
0xaa: {  	v46 =	vshll.u32 v3, $0x1  }
0xab: {  	v3 =	vand.u32 $0x7, v3;
	v4 =	vand.u32 $0xFFFFFFF0, v46  }
0xac: {  	v3 =	vor.u32 v3, v4  }
0xad: {  	v4 =	vperm.xlane v3, v0;
	_ =	sdelay $0x1  }
0xae: {  	v3 =	vperm.xlane v3, v2;
	v4 =	vadd.s32 v1, v4;
	_ =	sdelay $0x1  }
0xaf: {  	v3 =	vadd.s32 v1, v3;
	_ =	sdelay $0x1  }
0xb0: {  	s12 =	simm.s32 $0xE200  }
0xb1: {  	[tilespmem:s12], [sflag:$0x2] =	stream.indirect_vreg.gather [hbm4b:s1+s3], $0x80, v4, vm0, $0xb8;
	[tilespmem:$0x10200] =	vst v63  }
0xb2: {  	s12 =	simm.s32 $0xEA00  }
0xb3: {  	[tilespmem:s12], [sflag:$0x2] =	stream.indirect_vreg.gather [hbm4b:s1+s3], $0x80, v3, vm0, $0xb8;
	[tilespmem:$0x10200] =	vst v63  }
0xb4: {  	v3 =	vld [tilespmem:$0xF0];
	_ =	sdelay $0x4  }
0xb5: {  	v47 =	vshll.u32 v3, $0x1  }
0xb6: {  	v3 =	vand.u32 $0x7, v3;
	v4 =	vand.u32 $0xFFFFFFF0, v47  }
0xb7: {  	v3 =	vor.u32 v3, v4  }
0xb8: {  	v4 =	vperm.xlane v3, v0;
	_ =	sdelay $0x1  }
0xb9: {  	v3 =	vperm.xlane v3, v2;
	v4 =	vadd.s32 v1, v4;
	_ =	sdelay $0x1  }
0xba: {  	v3 =	vadd.s32 v1, v3;
	_ =	sdelay $0x1  }
0xbb: {  	s12 =	simm.s32 $0xF200  }
0xbc: {  	[tilespmem:s12], [sflag:$0x2] =	stream.indirect_vreg.gather [hbm4b:s1+s3], $0x80, v4, vm0, $0xb8;
	[tilespmem:$0x10200] =	vst v63  }
0xbd: {  	s12 =	simm.s32 $0xFA00  }
0xbe: {  	[tilespmem:s12], [sflag:$0x2] =	stream.indirect_vreg.gather [hbm4b:s1+s3], $0x80, v3, vm0, $0xb8;
	[tilespmem:$0x10200] =	vst v63  }
0xbf: {  	_ =	swait.ge [sflag:s4], $0x8000  }
0xc0: {  	[sflag:s4] =	ssyncset.done $0x0  }
0xc1: {  	s12 =	rddreg [dreg:$0x8];
	[sflag:s4] =	ssyncadd.s32 $0xFFFF8000  }
0xc2: {  	[hbm4b:s12+s3] =	stream.linear.scatter [tilespmem:s14], [sflag:$0x3], $0x8000, $0x38;
	[tilespmem:$0x10200] =	vst v63  }
0xc3: {  	_ =	swait.ge [sflag:s6], $0x8000  }
0xc4: {  	[sflag:s6] =	ssyncset.done $0x0  }
0xc5: {  	[sflag:s6] =	ssyncadd.s32 $0xFFFF8000  }
0xc6: {  	v3 =	vld [tilespmem:$0x100];
	_ =	sdelay $0x4  }
0xc7: {  	v48 =	vshll.u32 v3, $0x1  }
0xc8: {  	v3 =	vand.u32 $0x7, v3;
	v4 =	vand.u32 $0xFFFFFFF0, v48  }
0xc9: {  	v3 =	vor.u32 v3, v4  }
0xca: {  	v4 =	vperm.xlane v3, v0;
	_ =	sdelay $0x1  }
0xcb: {  	v3 =	vperm.xlane v3, v2;
	v4 =	vadd.s32 v1, v4;
	_ =	sdelay $0x1  }
0xcc: {  	v3 =	vadd.s32 v1, v3;
	_ =	sdelay $0x2  }
0xcd: {  	[tilespmem:s14], [sflag:$0x1] =	stream.indirect_vreg.gather [hbm4b:s1+s3], $0x80, v4, vm0, $0xb8;
	[tilespmem:$0x10200] =	vst v63  }
0xce: {  	_ = 	snop  }
0xcf: {  	[tilespmem:s16], [sflag:$0x1] =	stream.indirect_vreg.gather [hbm4b:s1+s3], $0x80, v3, vm0, $0xb8;
	[tilespmem:$0x10200] =	vst v63  }
0xd0: {  	v3 =	vld [tilespmem:$0x110];
	_ =	sdelay $0x4  }
0xd1: {  	v49 =	vshll.u32 v3, $0x1  }
0xd2: {  	v3 =	vand.u32 $0x7, v3;
	v4 =	vand.u32 $0xFFFFFFF0, v49  }
0xd3: {  	v3 =	vor.u32 v3, v4  }
0xd4: {  	v4 =	vperm.xlane v3, v0;
	_ =	sdelay $0x1  }
0xd5: {  	v3 =	vperm.xlane v3, v2;
	v4 =	vadd.s32 v1, v4;
	_ =	sdelay $0x1  }
0xd6: {  	v3 =	vadd.s32 v1, v3;
	_ =	sdelay $0x2  }
0xd7: {  	[tilespmem:s17], [sflag:$0x1] =	stream.indirect_vreg.gather [hbm4b:s1+s3], $0x80, v4, vm0, $0xb8;
	[tilespmem:$0x10200] =	vst v63  }
0xd8: {  	_ = 	snop  }
0xd9: {  	[tilespmem:s18], [sflag:$0x1] =	stream.indirect_vreg.gather [hbm4b:s1+s3], $0x80, v3, vm0, $0xb8;
	[tilespmem:$0x10200] =	vst v63  }
0xda: {  	v3 =	vld [tilespmem:$0x120];
	_ =	sdelay $0x4  }
0xdb: {  	v50 =	vshll.u32 v3, $0x1  }
0xdc: {  	v3 =	vand.u32 $0x7, v3;
	v4 =	vand.u32 $0xFFFFFFF0, v50  }
0xdd: {  	v3 =	vor.u32 v3, v4  }
0xde: {  	v4 =	vperm.xlane v3, v0;
	_ =	sdelay $0x1  }
0xdf: {  	v3 =	vperm.xlane v3, v2;
	v4 =	vadd.s32 v1, v4;
	_ =	sdelay $0x1  }
0xe0: {  	v3 =	vadd.s32 v1, v3;
	_ =	sdelay $0x2  }
0xe1: {  	[tilespmem:s19], [sflag:$0x1] =	stream.indirect_vreg.gather [hbm4b:s1+s3], $0x80, v4, vm0, $0xb8;
	[tilespmem:$0x10200] =	vst v63  }
0xe2: {  	_ = 	snop  }
0xe3: {  	[tilespmem:s20], [sflag:$0x1] =	stream.indirect_vreg.gather [hbm4b:s1+s3], $0x80, v3, vm0, $0xb8;
	[tilespmem:$0x10200] =	vst v63  }
0xe4: {  	v3 =	vld [tilespmem:$0x130];
	_ =	sdelay $0x4  }
0xe5: {  	v51 =	vshll.u32 v3, $0x1  }
0xe6: {  	v3 =	vand.u32 $0x7, v3;
	v4 =	vand.u32 $0xFFFFFFF0, v51  }
0xe7: {  	v3 =	vor.u32 v3, v4  }
0xe8: {  	v4 =	vperm.xlane v3, v0;
	_ =	sdelay $0x1  }
0xe9: {  	v3 =	vperm.xlane v3, v2;
	v4 =	vadd.s32 v1, v4;
	_ =	sdelay $0x1  }
0xea: {  	v3 =	vadd.s32 v1, v3;
	_ =	sdelay $0x2  }
0xeb: {  	[tilespmem:s21], [sflag:$0x1] =	stream.indirect_vreg.gather [hbm4b:s1+s3], $0x80, v4, vm0, $0xb8;
	[tilespmem:$0x10200] =	vst v63  }
0xec: {  	_ = 	snop  }
0xed: {  	[tilespmem:s22], [sflag:$0x1] =	stream.indirect_vreg.gather [hbm4b:s1+s3], $0x80, v3, vm0, $0xb8;
	[tilespmem:$0x10200] =	vst v63  }
0xee: {  	v3 =	vld [tilespmem:$0x140];
	_ =	sdelay $0x4  }
0xef: {  	v52 =	vshll.u32 v3, $0x1  }
0xf0: {  	v3 =	vand.u32 $0x7, v3;
	v4 =	vand.u32 $0xFFFFFFF0, v52  }
0xf1: {  	v3 =	vor.u32 v3, v4  }
0xf2: {  	v4 =	vperm.xlane v3, v0;
	_ =	sdelay $0x1  }
0xf3: {  	v3 =	vperm.xlane v3, v2;
	v4 =	vadd.s32 v1, v4;
	_ =	sdelay $0x1  }
0xf4: {  	v3 =	vadd.s32 v1, v3;
	_ =	sdelay $0x2  }
0xf5: {  	[tilespmem:s24], [sflag:$0x1] =	stream.indirect_vreg.gather [hbm4b:s1+s3], $0x80, v4, vm0, $0xb8;
	[tilespmem:$0x10200] =	vst v63  }
0xf6: {  	_ = 	snop  }
0xf7: {  	[tilespmem:s25], [sflag:$0x1] =	stream.indirect_vreg.gather [hbm4b:s1+s3], $0x80, v3, vm0, $0xb8;
	[tilespmem:$0x10200] =	vst v63  }
0xf8: {  	v3 =	vld [tilespmem:$0x150];
	_ =	sdelay $0x4  }
0xf9: {  	v53 =	vshll.u32 v3, $0x1  }
0xfa: {  	v3 =	vand.u32 $0x7, v3;
	v4 =	vand.u32 $0xFFFFFFF0, v53  }
0xfb: {  	v3 =	vor.u32 v3, v4  }
0xfc: {  	v4 =	vperm.xlane v3, v0;
	_ =	sdelay $0x1  }
0xfd: {  	v3 =	vperm.xlane v3, v2;
	v4 =	vadd.s32 v1, v4;
	_ =	sdelay $0x1  }
0xfe: {  	v3 =	vadd.s32 v1, v3;
	_ =	sdelay $0x2  }
0xff: {  	[tilespmem:s26], [sflag:$0x1] =	stream.indirect_vreg.gather [hbm4b:s1+s3], $0x80, v4, vm0, $0xb8;
	[tilespmem:$0x10200] =	vst v63  }
0x100: {  	_ = 	snop  }
0x101: {  	[tilespmem:s28], [sflag:$0x1] =	stream.indirect_vreg.gather [hbm4b:s1+s3], $0x80, v3, vm0, $0xb8;
	[tilespmem:$0x10200] =	vst v63  }
0x102: {  	v3 =	vld [tilespmem:$0x160];
	_ =	sdelay $0x4  }
0x103: {  	v54 =	vshll.u32 v3, $0x1  }
0x104: {  	v3 =	vand.u32 $0x7, v3;
	v4 =	vand.u32 $0xFFFFFFF0, v54  }
0x105: {  	v3 =	vor.u32 v3, v4  }
0x106: {  	v4 =	vperm.xlane v3, v0;
	_ =	sdelay $0x1  }
0x107: {  	v3 =	vperm.xlane v3, v2;
	v4 =	vadd.s32 v1, v4;
	_ =	sdelay $0x1  }
0x108: {  	v3 =	vadd.s32 v1, v3;
	_ =	sdelay $0x2  }
0x109: {  	[tilespmem:s29], [sflag:$0x1] =	stream.indirect_vreg.gather [hbm4b:s1+s3], $0x80, v4, vm0, $0xb8;
	[tilespmem:$0x10200] =	vst v63  }
0x10a: {  	_ = 	snop  }
0x10b: {  	[tilespmem:s30], [sflag:$0x1] =	stream.indirect_vreg.gather [hbm4b:s1+s3], $0x80, v3, vm0, $0xb8;
	[tilespmem:$0x10200] =	vst v63  }
0x10c: {  	v3 =	vld [tilespmem:$0x170];
	_ =	sdelay $0x4  }
0x10d: {  	v55 =	vshll.u32 v3, $0x1  }
0x10e: {  	v3 =	vand.u32 $0x7, v3;
	v4 =	vand.u32 $0xFFFFFFF0, v55  }
0x10f: {  	v3 =	vor.u32 v3, v4  }
0x110: {  	v4 =	vperm.xlane v3, v0;
	_ =	sdelay $0x1  }
0x111: {  	v3 =	vperm.xlane v3, v2;
	v4 =	vadd.s32 v1, v4;
	_ =	sdelay $0x1  }
0x112: {  	v3 =	vadd.s32 v1, v3;
	_ =	sdelay $0x2  }
0x113: {  	[tilespmem:s31], [sflag:$0x1] =	stream.indirect_vreg.gather [hbm4b:s1+s3], $0x80, v4, vm0, $0xb8;
	[tilespmem:$0x10200] =	vst v63  }
0x114: {  	_ = 	snop  }
0x115: {  	[tilespmem:s2], [sflag:$0x1] =	stream.indirect_vreg.gather [hbm4b:s1+s3], $0x80, v3, vm0, $0xb8;
	[tilespmem:$0x10200] =	vst v63  }
0x116: {  	_ =	swait.ge [sflag:s15], $0x8000  }
0x117: {  	[sflag:s15] =	ssyncset.done $0x0  }
0x118: {  	s2 =	rddreg [dreg:$0x5];
	[sflag:s15] =	ssyncadd.s32 $0xFFFF8000  }
0x119: {  	[hbm4b:s2+s3] =	stream.linear.scatter [tilespmem:s0], [sflag:$0x3], $0x8000, $0x38;
	[tilespmem:$0x10200] =	vst v63  }
0x11a: {  	_ =	swait.ge [sflag:s6], $0x8000  }
0x11b: {  	[sflag:s6] =	ssyncset.done $0x0  }
0x11c: {  	[sflag:s6] =	ssyncadd.s32 $0xFFFF8000  }
0x11d: {  	v3 =	vld [tilespmem:$0x180];
	_ =	sdelay $0x4  }
0x11e: {  	v56 =	vshll.u32 v3, $0x1  }
0x11f: {  	v3 =	vand.u32 $0x7, v3;
	v4 =	vand.u32 $0xFFFFFFF0, v56  }
0x120: {  	v3 =	vor.u32 v3, v4  }
0x121: {  	v4 =	vperm.xlane v3, v0;
	_ =	sdelay $0x1  }
0x122: {  	v3 =	vperm.xlane v3, v2;
	v4 =	vadd.s32 v1, v4;
	_ =	sdelay $0x1  }
0x123: {  	v3 =	vadd.s32 v1, v3;
	_ =	sdelay $0x2  }
0x124: {  	[tilespmem:s0], [sflag:$0x2] =	stream.indirect_vreg.gather [hbm4b:s1+s3], $0x80, v4, vm0, $0xb8;
	[tilespmem:$0x10200] =	vst v63  }
0x125: {  	_ = 	snop  }
0x126: {  	[tilespmem:s23], [sflag:$0x2] =	stream.indirect_vreg.gather [hbm4b:s1+s3], $0x80, v3, vm0, $0xb8;
	[tilespmem:$0x10200] =	vst v63  }
0x127: {  	v3 =	vld [tilespmem:$0x190];
	_ =	sdelay $0x4  }
0x128: {  	v57 =	vshll.u32 v3, $0x1  }
0x129: {  	v3 =	vand.u32 $0x7, v3;
	v4 =	vand.u32 $0xFFFFFFF0, v57  }
0x12a: {  	v3 =	vor.u32 v3, v4  }
0x12b: {  	v4 =	vperm.xlane v3, v0;
	_ =	sdelay $0x1  }
0x12c: {  	v3 =	vperm.xlane v3, v2;
	v4 =	vadd.s32 v1, v4;
	_ =	sdelay $0x1  }
0x12d: {  	v3 =	vadd.s32 v1, v3;
	_ =	sdelay $0x2  }
0x12e: {  	[tilespmem:s8], [sflag:$0x2] =	stream.indirect_vreg.gather [hbm4b:s1+s3], $0x80, v4, vm0, $0xb8;
	[tilespmem:$0x10200] =	vst v63  }
0x12f: {  	_ = 	snop  }
0x130: {  	[tilespmem:s9], [sflag:$0x2] =	stream.indirect_vreg.gather [hbm4b:s1+s3], $0x80, v3, vm0, $0xb8;
	[tilespmem:$0x10200] =	vst v63  }
0x131: {  	v3 =	vld [tilespmem:$0x1A0];
	_ =	sdelay $0x4  }
0x132: {  	v58 =	vshll.u32 v3, $0x1  }
0x133: {  	v3 =	vand.u32 $0x7, v3;
	v4 =	vand.u32 $0xFFFFFFF0, v58  }
0x134: {  	v3 =	vor.u32 v3, v4  }
0x135: {  	v4 =	vperm.xlane v3, v0;
	_ =	sdelay $0x1  }
0x136: {  	v3 =	vperm.xlane v3, v2;
	v4 =	vadd.s32 v1, v4;
	_ =	sdelay $0x1  }
0x137: {  	v3 =	vadd.s32 v1, v3;
	_ =	sdelay $0x2  }
0x138: {  	[tilespmem:s10], [sflag:$0x2] =	stream.indirect_vreg.gather [hbm4b:s1+s3], $0x80, v4, vm0, $0xb8;
	[tilespmem:$0x10200] =	vst v63  }
0x139: {  	_ = 	snop  }
0x13a: {  	[tilespmem:s11], [sflag:$0x2] =	stream.indirect_vreg.gather [hbm4b:s1+s3], $0x80, v3, vm0, $0xb8;
	[tilespmem:$0x10200] =	vst v63  }
0x13b: {  	v3 =	vld [tilespmem:$0x1B0];
	_ =	sdelay $0x4  }
0x13c: {  	v59 =	vshll.u32 v3, $0x1  }
0x13d: {  	v3 =	vand.u32 $0x7, v3;
	v4 =	vand.u32 $0xFFFFFFF0, v59  }
0x13e: {  	v3 =	vor.u32 v3, v4  }
0x13f: {  	v4 =	vperm.xlane v3, v0;
	_ =	sdelay $0x1  }
0x140: {  	v3 =	vperm.xlane v3, v2;
	v4 =	vadd.s32 v1, v4;
	_ =	sdelay $0x1  }
0x141: {  	v3 =	vadd.s32 v1, v3;
	_ =	sdelay $0x1  }
0x142: {  	s16 =	simm.s32 $0xB200  }
0x143: {  	[tilespmem:s16], [sflag:$0x2] =	stream.indirect_vreg.gather [hbm4b:s1+s3], $0x80, v4, vm0, $0xb8;
	[tilespmem:$0x10200] =	vst v63  }
0x144: {  	_ = 	snop  }
0x145: {  	[tilespmem:s13], [sflag:$0x2] =	stream.indirect_vreg.gather [hbm4b:s1+s3], $0x80, v3, vm0, $0xb8;
	[tilespmem:$0x10200] =	vst v63  }
0x146: {  	v3 =	vld [tilespmem:$0x1C0];
	_ =	sdelay $0x4  }
0x147: {  	v60 =	vshll.u32 v3, $0x1  }
0x148: {  	v3 =	vand.u32 $0x7, v3;
	v4 =	vand.u32 $0xFFFFFFF0, v60  }
0x149: {  	v3 =	vor.u32 v3, v4  }
0x14a: {  	v4 =	vperm.xlane v3, v0;
	_ =	sdelay $0x1  }
0x14b: {  	v3 =	vperm.xlane v3, v2;
	v4 =	vadd.s32 v1, v4;
	_ =	sdelay $0x1  }
0x14c: {  	v3 =	vadd.s32 v1, v3;
	_ =	sdelay $0x2  }
0x14d: {  	[tilespmem:s7], [sflag:$0x2] =	stream.indirect_vreg.gather [hbm4b:s1+s3], $0x80, v4, vm0, $0xb8;
	[tilespmem:$0x10200] =	vst v63  }
0x14e: {  	s16 =	simm.s32 $0xCA00  }
0x14f: {  	[tilespmem:s16], [sflag:$0x2] =	stream.indirect_vreg.gather [hbm4b:s1+s3], $0x80, v3, vm0, $0xb8;
	[tilespmem:$0x10200] =	vst v63  }
0x150: {  	v3 =	vld [tilespmem:$0x1D0];
	_ =	sdelay $0x4  }
0x151: {  	v61 =	vshll.u32 v3, $0x1  }
0x152: {  	v3 =	vand.u32 $0x7, v3;
	v4 =	vand.u32 $0xFFFFFFF0, v61  }
0x153: {  	v3 =	vor.u32 v3, v4  }
0x154: {  	v4 =	vperm.xlane v3, v0;
	_ =	sdelay $0x1  }
0x155: {  	v3 =	vperm.xlane v3, v2;
	v4 =	vadd.s32 v1, v4;
	_ =	sdelay $0x1  }
0x156: {  	v3 =	vadd.s32 v1, v3;
	_ =	sdelay $0x1  }
0x157: {  	s7 =	simm.s32 $0xD200  }
0x158: {  	[tilespmem:s7], [sflag:$0x2] =	stream.indirect_vreg.gather [hbm4b:s1+s3], $0x80, v4, vm0, $0xb8;
	[tilespmem:$0x10200] =	vst v63  }
0x159: {  	s16 =	simm.s32 $0xDA00  }
0x15a: {  	[tilespmem:s16], [sflag:$0x2] =	stream.indirect_vreg.gather [hbm4b:s1+s3], $0x80, v3, vm0, $0xb8;
	[tilespmem:$0x10200] =	vst v63  }
0x15b: {  	v3 =	vld [tilespmem:$0x1E0];
	_ =	sdelay $0x4  }
0x15c: {  	v62 =	vshll.u32 v3, $0x1  }
0x15d: {  	v3 =	vand.u32 $0x7, v3;
	v4 =	vand.u32 $0xFFFFFFF0, v62  }
0x15e: {  	v3 =	vor.u32 v3, v4  }
0x15f: {  	v4 =	vperm.xlane v3, v0;
	_ =	sdelay $0x1  }
0x160: {  	v3 =	vperm.xlane v3, v2;
	v4 =	vadd.s32 v1, v4;
	_ =	sdelay $0x1  }
0x161: {  	v3 =	vadd.s32 v1, v3;
	_ =	sdelay $0x1  }
0x162: {  	s7 =	simm.s32 $0xE200  }
0x163: {  	[tilespmem:s7], [sflag:$0x2] =	stream.indirect_vreg.gather [hbm4b:s1+s3], $0x80, v4, vm0, $0xb8;
	[tilespmem:$0x10200] =	vst v63  }
0x164: {  	s16 =	simm.s32 $0xEA00  }
0x165: {  	[tilespmem:s16], [sflag:$0x2] =	stream.indirect_vreg.gather [hbm4b:s1+s3], $0x80, v3, vm0, $0xb8;
	[tilespmem:$0x10200] =	vst v63  }
0x166: {  	v3 =	vld [tilespmem:$0x1F0];
	_ =	sdelay $0x4  }
0x167: {  	v63 =	vshll.u32 v3, $0x1  }
0x168: {  	v3 =	vand.u32 $0x7, v3;
	v4 =	vand.u32 $0xFFFFFFF0, v63  }
0x169: {  	v3 =	vor.u32 v3, v4  }
0x16a: {  	v4 =	vperm.xlane v3, v0;
	_ =	sdelay $0x1  }
0x16b: {  	v3 =	vperm.xlane v3, v2;
	v4 =	vadd.s32 v1, v4;
	_ =	sdelay $0x1  }
0x16c: {  	v3 =	vadd.s32 v1, v3;
	_ =	sdelay $0x1  }
0x16d: {  	s7 =	simm.s32 $0xF200  }
0x16e: {  	[tilespmem:s7], [sflag:$0x2] =	stream.indirect_vreg.gather [hbm4b:s1+s3], $0x80, v4, vm0, $0xb8;
	[tilespmem:$0x10200] =	vst v63  }
0x16f: {  	s16 =	simm.s32 $0xFA00  }
0x170: {  	[tilespmem:s16], [sflag:$0x2] =	stream.indirect_vreg.gather [hbm4b:s1+s3], $0x80, v3, vm0, $0xb8;
	[tilespmem:$0x10200] =	vst v63  }
0x171: {  	_ =	swait.ge [sflag:s4], $0x8000  }
0x172: {  	[sflag:s4] =	ssyncset.done $0x0  }
0x173: {  	s12 =	simm.s32 $0x200;
	s7 =	rddreg [dreg:$0x6];
	[sflag:s4] =	ssyncadd.s32 $0xFFFF8000  }
0x174: {  	[hbm4b:s7+s3] =	stream.linear.scatter [tilespmem:s12], [sflag:$0x3], $0x8000, $0x38;
	[tilespmem:$0x10200] =	vst v63  }
0x175: {  	_ =	swait.ge [sflag:s6], $0x8000  }
0x176: {  	[sflag:s6] =	ssyncset.done $0x0  }
0x177: {  	[sflag:s6] =	ssyncadd.s32 $0xFFFF8000  }
0x178: {  	_ =	swait.ge [sflag:s15], $0x8000  }
0x179: {  	p0 =	sne.s32 s5, $0x1;
	[sflag:s15] =	ssyncset.done $0x0  }
.Ltmp0:
0x17a: {  	s12 =	rddreg [dreg:$0x7];
	[sflag:s15] =	ssyncadd.s32 $0xFFFF8000;
	(pc) =	sbr.rel @p0 .LBB2_1-.Ltmp0, $4  }
0x17b: {  	[hbm4b:s12+s3] =	stream.linear.scatter [tilespmem:s0], [sflag:$0x3], $0x8000, $0x38;
	[tilespmem:$0x10200] =	vst v63  }
0x17c: {  	_ =	swait.ge [sflag:s6], $0x8000  }
0x17d: {  	[sflag:s6] =	ssyncset.done $0x0  }
0x17e: {  	s5 =	sadd.s32 $0xFFFFFFFF, s5;
	[sflag:s6] =	ssyncadd.s32 $0xFFFF8000  }
0x17f: {  	_ =	sfence.sel $0x180000  }
0x180: {  	[bflag:$0x0] =	sbarrier.arrive $0xFFFF  }
0x181: {  	_ =	strace $0x90000047  }
0x182: {  	s0 =	stileid.u32;
	[bflag:$0x2] =	sbarrier.arrive $0xFFFF  }
0x183: {  	p0 =	sne.s32 s0, $0x0;
	s0 =	rddreg [dreg:$0x3]  }
0x184: {  	s0 =	sadd.s32 @!p0 $0x100000, s0  }
0x185: {  	[sflag:s0] =	ssyncadd.tile.s32 @!p0 $0x1;
	_ =	shalt  }
.Lfunc_end2:
_tile_overlayer_lowered:
.L_overlay_start_2:
0x186: {  	(tag) =	ssettag $0x2  }
0x187: {  	s0 =	rddreg [dreg:$0x0];
	s2 =	stileid.u32  }
0x188: {  	s1 =	rddreg [dreg:$0x1];
	p0 =	sne.s32 s2, $0x0  }
0x189: {  	s3 =	rddreg [dreg:$0x2];
	[bflag:$0x3] =	sbarrier.arrive $0xFFFF;
	s2 =	simm.s32 @!p0 $0x1C03  }
0x18a: {  	[timem:s3], [sflag:s2] =	dma.local @!p0 [hbm:s0], s1  }
0x18b: {  	s0 =	simm.s32 @!p0 $0x3  }
0x18c: {  	_ =	swait.ge @!p0 [sflag:s0], s1  }
0x18d: {  	s1 =	ssub.s32 @!p0 $0x0, s1;
	[sflag:s0] =	ssyncset.done @!p0 $0x0  }
0x18e: {  	[sflag:s0] =	ssyncadd.s32 @!p0 s1  }
0x18f: {  	[bflag:$0x3] =	sbarrier.arrive $0xFFFF  }
0x190: {  	_ =	shalt  }

</sc_bundles>
